<compile_context>
chip_gen: v7x
topology: tpu7x:2x2x1
jax: 0.10.2.dev20260603
libtpu: 0.0.44.dev20260713+nightly
codegen_flags: <defaults>
</compile_context>

<pallas_src>
import functools

import jax
import jax.numpy as jnp
from jax import lax
from jax.experimental import pallas as pl
from jax.experimental.pallas import tpu as pltpu
from jax.experimental.pallas import tpu_sc as plsc

NC = 2
NS = 16
LANES = 16
CH = 8

EB0 = 128
EB1 = 32


def _cdiv(a, b):
    return (a + b - 1) // b


def _deg_call(colf, zero_h, idrows, EC0, EC1):
    ECM = max(EC0, EC1)
    mesh = plsc.VectorSubcoreMesh(core_axis_name="c", subcore_axis_name="s")

    @functools.partial(
        pl.kernel,
        out_type=jax.ShapeDtypeStruct((NC, 128, 128), jnp.float32),
        mesh=mesh,
        scratch_types=[
            pltpu.VMEM((ECM,), jnp.int32),
            pltpu.VMEM((128, 128), jnp.float32),
            pltpu.VMEM((1, 128), jnp.int32),
            pltpu.VMEM_SHARED((128, 128), jnp.float32),
        ],
        compiler_params=pltpu.CompilerParams(needs_layout_passes=False),
    )
    def deg_kernel(colf_hbm, zero_hbm, idr_hbm, deg_hbm,
                   col_v, hist_v, idr_v, acc_sh):
        cid = lax.axis_index("c")
        sid = lax.axis_index("s")
        base = jnp.where(cid == 0, sid * EC0, NS * EC0 + sid * EC1)
        ecc = jnp.where(cid == 0, EC0, EC1)
        pltpu.sync_copy(colf_hbm.at[pl.ds(base, ECM)], col_v)
        pltpu.sync_copy(zero_hbm, hist_v)
        pltpu.sync_copy(idr_hbm, idr_v)
        pltpu.sync_copy(zero_hbm.at[pl.ds(0, 8)], acc_sh.at[pl.ds(sid * 8, 8)])

        ones16 = jnp.full((16,), 1.0, jnp.float32)

        def body(g, carry):
            idx16 = col_v[pl.ds(g * 16, 16)]
            hi = lax.shift_right_logical(idx16, 7)
            lo = lax.bitwise_and(idx16, 127)
            plsc.addupdate_scatter(hist_v, [hi, lo], ones16)
            return carry

        lax.fori_loop(0, ecc // 16, body, 0)
        plsc.subcore_barrier()
        pltpu.sync_copy(hist_v, acc_sh.at[idr_v.at[0]], add=True)
        plsc.subcore_barrier()
        pltpu.sync_copy(acc_sh.at[pl.ds(sid * 8, 8)],
                        deg_hbm.at[cid, pl.ds(sid * 8, 8)])

    return deg_kernel(colf, zero_h, idrows)


def _msg_call(hs, rowr, colr, zrow, NP, D):
    SLAB = NP // NS
    RT = rowr.shape[0]
    EB = RT // NS
    NCH = EB // CH
    assert EB % (2 * CH) == 0
    mesh = plsc.VectorSubcoreMesh(core_axis_name="c", subcore_axis_name="s",
                                  num_cores=1)

    @functools.partial(
        pl.kernel,
        out_type=jax.ShapeDtypeStruct((NP, D), jnp.float32),
        mesh=mesh,
        scratch_types=[
            pltpu.VMEM((2, CH, 128), jnp.int32),
            pltpu.VMEM((2, CH, 128), jnp.int32),
            pltpu.VMEM((128, D), jnp.float32),
            pltpu.VMEM((128, D), jnp.float32),
            pltpu.VMEM_SHARED((NP, D), jnp.float32),
            pltpu.SemaphoreType.DMA,
            pltpu.SemaphoreType.DMA,
            pltpu.SemaphoreType.DMA,
            pltpu.SemaphoreType.DMA,
        ],
    )
    def msg_kernel(hs_hbm, rowr_hbm, colr_hbm, zrow_hbm, out_hbm,
                   rowc, colc, m0, m1, acc_sh, g0, g1, i0, i1):
        bufs = (m0, m1)
        gs = (g0, g1)
        isems = (i0, i1)
        cid = lax.axis_index("c")
        sid = lax.axis_index("s")
        base = sid * EB

        def refill(c, slot):
            pltpu.async_copy(rowr_hbm.at[pl.ds((base + c * CH), CH)],
                             rowc.at[slot], isems[slot])
            pltpu.async_copy(colr_hbm.at[pl.ds((base + c * CH), CH)],
                             colc.at[slot], isems[slot])

        def wait_refill(slot):
            pltpu.make_async_copy(rowr_hbm.at[pl.ds(0, CH)],
                                  rowc.at[slot], isems[slot]).wait()
            pltpu.make_async_copy(colr_hbm.at[pl.ds(0, CH)],
                                  colc.at[slot], isems[slot]).wait()

        def gather(slot, k, b):
            pltpu.async_copy(hs_hbm.at[rowc.at[slot, k]], bufs[b], gs[b])

        def wait_gather(b):
            pltpu.make_async_copy(hs_hbm.at[rowc.at[0, 0]],
                                  bufs[b], gs[b]).wait()

        del cid
        refill(0, 0)
        refill(1, 1)
        pltpu.sync_copy(zrow_hbm, acc_sh.at[pl.ds(sid * SLAB, SLAB)])
        plsc.subcore_barrier()
        wait_refill(0)
        gather(0, 0, 0)
        gather(0, 1, 1)

        def super_body(g, carry):
            for cc in range(2):
                c = g * 2 + cc
                for k in range(CH):
                    wait_gather(k & 1)
                    pltpu.sync_copy(bufs[k & 1],
                                    acc_sh.at[colc.at[cc, k]], add=True)
                    if k == CH - 3:
                        wait_refill(1 - cc)
                    if k < CH - 2:
                        gather(cc, k + 2, k & 1)
                    else:
                        gather(1 - cc, k - (CH - 2), k & 1)
                refill(jnp.minimum(c + 2, NCH - 1), cc)
            return carry

        lax.fori_loop(0, NCH // 2, super_body, 0)
        wait_gather(0)
        wait_gather(1)
        wait_refill(1)
        plsc.subcore_barrier()
        pltpu.sync_copy(acc_sh.at[pl.ds(sid * SLAB, SLAB)],
                        out_hbm.at[pl.ds(sid * SLAB, SLAB)])

    return msg_kernel(hs, rowr, colr, zrow)


def _prescale_call(xp, W, d0, d1, BM):
    NP, D = xp.shape

    def body(x_ref, w_ref, d0_ref, d1_ref, hs_ref, dinv_ref):
        deg = d0_ref[...] + d1_ref[...] + 1.0
        dinv = lax.rsqrt(deg)
        h = jnp.dot(x_ref[...], w_ref[...], preferred_element_type=jnp.float32,
                    precision=lax.Precision.HIGHEST)
        hs_ref[...] = h * dinv
        dinv_ref[...] = dinv

    return pl.pallas_call(
        body,
        grid=(NP // BM,),
        in_specs=[
            pl.BlockSpec((BM, D), lambda i: (i, 0)),
            pl.BlockSpec((D, D), lambda i: (0, 0)),
            pl.BlockSpec((BM, 1), lambda i: (i, 0)),
            pl.BlockSpec((BM, 1), lambda i: (i, 0)),
        ],
        out_specs=[
            pl.BlockSpec((BM, D), lambda i: (i, 0)),
            pl.BlockSpec((BM, 1), lambda i: (i, 0)),
        ],
        out_shape=[
            jax.ShapeDtypeStruct((NP, D), jnp.float32),
            jax.ShapeDtypeStruct((NP, 1), jnp.float32),
        ],
    )(xp, W, d0, d1)


def _finish_call(p0, hs, dinv, b2, w2, BM):
    NP, D = hs.shape

    def body(p0_ref, hs_ref, dinv_ref, b_ref, w_ref, o_ref):
        s = p0_ref[...] + hs_ref[...]
        out = dinv_ref[...] * s + b_ref[...]
        o_ref[...] = jnp.where(out > 0, out, w_ref[...] * out)

    return pl.pallas_call(
        body,
        grid=(NP // BM,),
        in_specs=[
            pl.BlockSpec((BM, D), lambda i: (i, 0)),
            pl.BlockSpec((BM, D), lambda i: (i, 0)),
            pl.BlockSpec((BM, 1), lambda i: (i, 0)),
            pl.BlockSpec((1, D), lambda i: (0, 0)),
            pl.BlockSpec((1, D), lambda i: (0, 0)),
        ],
        out_specs=pl.BlockSpec((BM, D), lambda i: (i, 0)),
        out_shape=jax.ShapeDtypeStruct((NP, D), jnp.float32),
    )(p0, hs, dinv, b2, w2)


def kernel(x, edge_index, W, b, prelu_w):
    N, D = x.shape
    E = edge_index.shape[1]
    NP = _cdiv(N, 2048) * 2048
    assert NP > N
    assert NP <= 128 * 128
    SLAB = NP // NS
    BM = 1024

    assert NS * (EB0 + EB1) * 128 >= E
    RT = NS * (EB0 + EB1)
    EC0, EC1 = EB0 * 128, EB1 * 128
    ECM = max(EC0, EC1)
    LEN = RT * 128 + ECM

    pad = jnp.full((LEN - E,), NP - 1, dtype=edge_index.dtype)
    rowf = jnp.concatenate([edge_index[0], pad])
    colf = jnp.concatenate([edge_index[1], pad])
    rowr = rowf[:RT * 128].reshape(RT, 128)
    colr = colf[:RT * 128].reshape(RT, 128)

    zero_h = jnp.zeros((128, 128), jnp.float32)
    idrows = jnp.arange(128, dtype=jnp.int32).reshape(1, 128)
    zrow = jnp.zeros((SLAB, D), jnp.float32)

    degp = _deg_call(colf, zero_h, idrows, EC0, EC1)
    d0 = degp[0].reshape(-1)[:NP, None]
    d1 = degp[1].reshape(-1)[:NP, None]

    xp = jnp.pad(x, ((0, NP - N), (0, 0)))
    hs, dinv = _prescale_call(xp, W, d0, d1, BM)

    P = _msg_call(hs, rowr, colr, zrow, NP, D)

    z = _finish_call(P, hs, dinv,
                     b.reshape(1, D), prelu_w.reshape(1, D), BM)
    return z[:N]

# --- scband reference (transcript-rebuilt; emitter-appended) ---
"""Pipeline reference for scband-model-10007273799960 (READ-ONLY COPY).

The authoritative reference and input builder live on the scoring server;
editing this copy changes nothing except your own understanding.
"""

import jax, jax.numpy as jnp
import numpy as np

N = 10000
E = 320000
D = 128


def setup_inputs(seed: int = 0) -> dict:
    key = jax.random.key(seed)
    k1, k2, k3, k4 = jax.random.split(key, 4)
    x = jax.random.normal(k1, (N, D), dtype=jnp.float32)
    edge_index = jax.random.randint(k2, (2, E), 0, N, dtype=jnp.int32)
    # GCNConv linear weight (in_channels=D, out_channels=D) + bias
    W = jax.random.normal(k3, (D, D), dtype=jnp.float32) * (1.0 / np.sqrt(D))
    b = jnp.zeros((D,), dtype=jnp.float32)
    # PReLU per-channel weight, torch default init 0.25
    prelu_w = jnp.full((D,), 0.25, dtype=jnp.float32)
    return {"x": x, "edge_index": edge_index, "W": W, "b": b, "prelu_w": prelu_w}


def reference(x, edge_index, W, b, prelu_w):
    n = x.shape[0]
    # GCNConv: add self-loops, symmetric normalization, propagate (scatter-add), bias
    loop = jnp.arange(n, dtype=edge_index.dtype)
    row = jnp.concatenate([edge_index[0], loop])  # source nodes
    col = jnp.concatenate([edge_index[1], loop])  # target nodes
    h = x @ W
    ones = jnp.ones(col.shape[0], dtype=h.dtype)
    deg = jax.ops.segment_sum(ones, col, num_segments=n)
    deg_inv_sqrt = jnp.where(deg > 0, deg ** -0.5, 0.0)
    norm = deg_inv_sqrt[row] * deg_inv_sqrt[col]
    msgs = norm[:, None] * h[row]
    out = jax.ops.segment_sum(msgs, col, num_segments=n) + b
    # PReLU per-channel
    z = jnp.where(out > 0, out, prelu_w * out)
    return z

if __name__ == "__main__":
    import jax
    _d = setup_inputs()
    print(jax.jit(kernel)(*tuple(_d.values())))

</pallas_src>

<mosaic_0001>
#map = affine_map<(d0, d1) -> (0)>
#map1 = affine_map<(d0, d1) -> (0, 0)>
#map2 = affine_map<(d0, d1) -> (0, 0, 0)>
module attributes {stable_mosaic.version = 14 : i64} {
  func.func @deg_kernel(%arg0: i32, %arg1: i32, %arg2: memref<344064xi32, #tpu.memory_space<hbm>>, %arg3: memref<128x128xf32, #tpu.memory_space<hbm>>, %arg4: memref<1x128xi32, #tpu.memory_space<hbm>>, %arg5: memref<2x128x128xf32, #tpu.memory_space<hbm>>, %arg6: memref<16384xi32, #tpu.memory_space<vmem>>, %arg7: memref<128x128xf32, #tpu.memory_space<vmem>>, %arg8: memref<1x128xi32, #tpu.memory_space<vmem>>, %arg9: memref<128x128xf32, #tpu.memory_space<vmem_shared>>) attributes {dimension_semantics = [#tpu.dimension_semantics<core_parallel>, #tpu.dimension_semantics<subcore_parallel>], iteration_bounds = array<i64: 2, 16>, scalar_prefetch = 0 : i64, scratch_operands = 4 : i64, tpu.core_type = #tpu.core_type<sc_vector_subcore>, window_params = [{transform_indices = #map}, {transform_indices = #map1}, {transform_indices = #map1}, {transform_indices = #map2}]} {
    %eq3A = arith.constant 0 : i32
    %eq3A_0 = arith.cmpi eq, %arg0, %eq3A : i32
    %mul3A = arith.constant 16384 : i32
    %mul3A_1 = arith.muli %arg1, %mul3A : i32
    %mul3A_2 = arith.constant 4096 : i32
    %mul3A_3 = arith.muli %arg1, %mul3A_2 : i32
    %add3A = arith.constant 262144 : i32
    %add3A_4 = arith.addi %add3A, %mul3A_3 : i32
    %select_n3A = arith.select %eq3A_0, %mul3A_1, %add3A_4 : i32
    %eq3A_5 = arith.constant 0 : i32
    %eq3A_6 = arith.cmpi eq, %arg0, %eq3A_5 : i32
    %jit3A = arith.constant 16384 : i32
    %jit3A_7 = arith.constant 4096 : i32
    %select_n3A_8 = arith.select %eq3A_6, %jit3A, %jit3A_7 : i32
    "tpu.region"() ({
      %run_scoped3A_44 = tpu.sem_alloc : memref<!tpu.dma_semaphore, #tpu.memory_space<semaphore_mem>>
      %dma_start3A = tpu.memref_slice %arg2[%select_n3A] : memref<344064xi32, #tpu.memory_space<hbm>> -> memref<16384xi32, #tpu.memory_space<hbm>>
      %dma_start3A_45 = tpu.memref_slice %arg2[%select_n3A] : memref<344064xi32, #tpu.memory_space<hbm>> -> memref<16384xi32, #tpu.memory_space<hbm>>
      tpu.enqueue_dma source(%dma_start3A_45 : memref<16384xi32, #tpu.memory_space<hbm>>) target(%arg6 : memref<16384xi32, #tpu.memory_space<vmem>>) target_semaphore(%run_scoped3A_44 : memref<!tpu.dma_semaphore, #tpu.memory_space<semaphore_mem>>)
      %dma_wait3A = tpu.memref_slice %arg2[%select_n3A] : memref<344064xi32, #tpu.memory_space<hbm>> -> memref<16384xi32, #tpu.memory_space<hbm>>
      %dma_wait3A_46 = tpu.memref_slice %arg2[%select_n3A] : memref<344064xi32, #tpu.memory_space<hbm>> -> memref<16384xi32, #tpu.memory_space<hbm>>
      tpu.wait_dma2 semaphore(%run_scoped3A_44 : memref<!tpu.dma_semaphore, #tpu.memory_space<semaphore_mem>>) src(%dma_wait3A_46 : memref<16384xi32, #tpu.memory_space<hbm>>) dst(%arg6 : memref<16384xi32, #tpu.memory_space<vmem>>)
      tpu.yield
    }) : () -> ()
    "tpu.region"() ({
      %run_scoped3A_44 = tpu.sem_alloc : memref<!tpu.dma_semaphore, #tpu.memory_space<semaphore_mem>>
      tpu.enqueue_dma source(%arg3 : memref<128x128xf32, #tpu.memory_space<hbm>>) target(%arg7 : memref<128x128xf32, #tpu.memory_space<vmem>>) target_semaphore(%run_scoped3A_44 : memref<!tpu.dma_semaphore, #tpu.memory_space<semaphore_mem>>)
      tpu.wait_dma2 semaphore(%run_scoped3A_44 : memref<!tpu.dma_semaphore, #tpu.memory_space<semaphore_mem>>) src(%arg3 : memref<128x128xf32, #tpu.memory_space<hbm>>) dst(%arg7 : memref<128x128xf32, #tpu.memory_space<vmem>>)
      tpu.yield
    }) : () -> ()
    "tpu.region"() ({
      %run_scoped3A_44 = tpu.sem_alloc : memref<!tpu.dma_semaphore, #tpu.memory_space<semaphore_mem>>
      tpu.enqueue_dma source(%arg4 : memref<1x128xi32, #tpu.memory_space<hbm>>) target(%arg8 : memref<1x128xi32, #tpu.memory_space<vmem>>) target_semaphore(%run_scoped3A_44 : memref<!tpu.dma_semaphore, #tpu.memory_space<semaphore_mem>>)
      tpu.wait_dma2 semaphore(%run_scoped3A_44 : memref<!tpu.dma_semaphore, #tpu.memory_space<semaphore_mem>>) src(%arg4 : memref<1x128xi32, #tpu.memory_space<hbm>>) dst(%arg8 : memref<1x128xi32, #tpu.memory_space<vmem>>)
      tpu.yield
    }) : () -> ()
    %mul3A_9 = arith.constant 8 : i32
    %mul3A_10 = arith.muli %arg1, %mul3A_9 : i32
    "tpu.region"() ({
      %run_scoped3A_44 = tpu.sem_alloc : memref<!tpu.dma_semaphore, #tpu.memory_space<semaphore_mem>>
      %dma_start3A = arith.constant 0 : i32
      %dma_start3A_45 = tpu.memref_slice %arg9[%mul3A_10, %dma_start3A] : memref<128x128xf32, #tpu.memory_space<vmem_shared>> -> memref<8x128xf32, #tpu.memory_space<vmem_shared>>
      %dma_start3A_46 = arith.constant 0 : i32
      %dma_start3A_47 = arith.constant 0 : i32
      %dma_start3A_48 = tpu.memref_slice %arg3[%dma_start3A_46, %dma_start3A_47] : memref<128x128xf32, #tpu.memory_space<hbm>> -> memref<8x128xf32, #tpu.memory_space<hbm>>
      tpu.enqueue_dma source(%dma_start3A_48 : memref<8x128xf32, #tpu.memory_space<hbm>>) target(%dma_start3A_45 : memref<8x128xf32, #tpu.memory_space<vmem_shared>>) target_semaphore(%run_scoped3A_44 : memref<!tpu.dma_semaphore, #tpu.memory_space<semaphore_mem>>)
      %dma_wait3A = arith.constant 0 : i32
      %dma_wait3A_49 = tpu.memref_slice %arg9[%mul3A_10, %dma_wait3A] : memref<128x128xf32, #tpu.memory_space<vmem_shared>> -> memref<8x128xf32, #tpu.memory_space<vmem_shared>>
      %dma_wait3A_50 = arith.constant 0 : i32
      %dma_wait3A_51 = arith.constant 0 : i32
      %dma_wait3A_52 = tpu.memref_slice %arg3[%dma_wait3A_50, %dma_wait3A_51] : memref<128x128xf32, #tpu.memory_space<hbm>> -> memref<8x128xf32, #tpu.memory_space<hbm>>
      tpu.wait_dma2 semaphore(%run_scoped3A_44 : memref<!tpu.dma_semaphore, #tpu.memory_space<semaphore_mem>>) src(%dma_wait3A_52 : memref<8x128xf32, #tpu.memory_space<hbm>>) dst(%dma_wait3A_49 : memref<8x128xf32, #tpu.memory_space<vmem_shared>>)
      tpu.yield
    }) : () -> ()
    %broadcast_in_dim3A = arith.constant 1.000000e+00 : f32
    %broadcast_in_dim3A_11 = vector.broadcast %broadcast_in_dim3A : f32 to vector<16xf32>
    %jit3A_12 = arith.constant 16 : i32
    %div3A = arith.divsi %select_n3A_8, %jit3A_12 : i32
    %sign3A = arith.constant 0 : i32
    %sign3A_13 = arith.cmpi sgt, %select_n3A_8, %sign3A : i32
    %sign3A_14 = arith.extui %sign3A_13 : i1 to i32
    %sign3A_15 = arith.constant 0 : i32
    %sign3A_16 = arith.cmpi slt, %select_n3A_8, %sign3A_15 : i32
    %sign3A_17 = arith.extui %sign3A_16 : i1 to i32
    %sign3A_18 = arith.subi %sign3A_14, %sign3A_17 : i32
    %sign3A_19 = arith.constant 0 : i32
    %sign3A_20 = arith.cmpi sgt, %jit3A_12, %sign3A_19 : i32
    %sign3A_21 = arith.extui %sign3A_20 : i1 to i32
    %sign3A_22 = arith.constant 0 : i32
    %sign3A_23 = arith.cmpi slt, %jit3A_12, %sign3A_22 : i32
    %sign3A_24 = arith.extui %sign3A_23 : i1 to i32
    %sign3A_25 = arith.subi %sign3A_21, %sign3A_24 : i32
    %ne3A = arith.cmpi ne, %sign3A_18, %sign3A_25 : i32
    %rem3A = arith.remsi %select_n3A_8, %jit3A_12 : i32
    %ne3A_26 = arith.constant 0 : i32
    %ne3A_27 = arith.cmpi ne, %rem3A, %ne3A_26 : i32
    %and3A = arith.andi %ne3A, %ne3A_27 : i1
    %sub3A = arith.constant 1 : i32
    %sub3A_28 = arith.subi %div3A, %sub3A : i32
    %select_n3A_29 = arith.select %and3A, %sub3A_28, %div3A : i32
    %while3A = arith.constant 0 : i32
    %while3A_30 = arith.constant 0 : i32
    %while3A_31 = arith.subi %select_n3A_29, %while3A_30 : i32
    %while3A_32 = arith.addi %while3A_30, %while3A_31 : i32
    %while3A_33 = arith.constant 1 : i32
    %while3A_34 = arith.divsi %while3A_31, %while3A_33 : i32
    %while3A_35 = arith.muli %while3A_34, %while3A_33 : i32
    %while3A_36 = arith.addi %while3A_30, %while3A_35 : i32
    %while3A_37 = arith.constant 1 : i32
    scf.for %while3A_44 = %while3A_30 to %while3A_36 step %while3A_37  : i32 {
      %mul3A_45 = arith.constant 16 : i32
      %mul3A_46 = arith.muli %while3A_44, %mul3A_45 : i32
      %get3A = arith.index_cast %mul3A_46 : i32 to index
      %get3A_47 = tpu.vector_load %arg6[%get3A] {strides = array<i32>} : memref<16384xi32, #tpu.memory_space<vmem>>, vector<16xi32>,
      %shift_right_logical3A = arith.constant 7 : i32
      %shift_right_logical3A_48 = vector.broadcast %shift_right_logical3A : i32 to vector<16xi32>
      %shift_right_logical3A_49 = arith.shrui %get3A_47, %shift_right_logical3A_48 : vector<16xi32>
      %and3A_50 = arith.constant 127 : i32
      %and3A_51 = vector.broadcast %and3A_50 : i32 to vector<16xi32>
      %and3A_52 = arith.andi %get3A_47, %and3A_51 : vector<16xi32>
      tpu.vector_store_idx %arg7[%shift_right_logical3A_49, %and3A_52], %broadcast_in_dim3A_11 {add = true} : memref<128x128xf32, #tpu.memory_space<vmem>>[vector<16xi32>, vector<16xi32>], vector<16xf32>,
    }
    %while3A_38 = arith.constant 1 : i32
    scf.for %while3A_44 = %while3A_36 to %while3A_32 step %while3A_38  : i32 {
      %mul3A_45 = arith.constant 16 : i32
      %mul3A_46 = arith.muli %while3A_44, %mul3A_45 : i32
      %get3A = arith.index_cast %mul3A_46 : i32 to index
      %get3A_47 = tpu.vector_load %arg6[%get3A] {strides = array<i32>} : memref<16384xi32, #tpu.memory_space<vmem>>, vector<16xi32>,
      %shift_right_logical3A = arith.constant 7 : i32
      %shift_right_logical3A_48 = vector.broadcast %shift_right_logical3A : i32 to vector<16xi32>
      %shift_right_logical3A_49 = arith.shrui %get3A_47, %shift_right_logical3A_48 : vector<16xi32>
      %and3A_50 = arith.constant 127 : i32
      %and3A_51 = vector.broadcast %and3A_50 : i32 to vector<16xi32>
      %and3A_52 = arith.andi %get3A_47, %and3A_51 : vector<16xi32>
      tpu.vector_store_idx %arg7[%shift_right_logical3A_49, %and3A_52], %broadcast_in_dim3A_11 {add = true} : memref<128x128xf32, #tpu.memory_space<vmem>>[vector<16xi32>, vector<16xi32>], vector<16xf32>,
    }
    %barrier3A = arith.constant 0 : index
    tpu.barrier barrier_id(%barrier3A)
    %run_scoped3A = arith.constant 0 : i32
    "tpu.region"() ({
      %run_scoped3A_44 = tpu.sem_alloc : memref<!tpu.dma_semaphore, #tpu.memory_space<semaphore_mem>>
      %dma_start3A = arith.constant 0 : i32
      %dma_start3A_45 = tpu.memref_slice %arg8[%run_scoped3A, %dma_start3A] : memref<1x128xi32, #tpu.memory_space<vmem>> -> memref<1x128xi32, #tpu.memory_space<vmem>>
      %dma_start3A_46 = tpu.memref_squeeze %dma_start3A_45 : memref<1x128xi32, #tpu.memory_space<vmem>> -> memref<128xi32, #tpu.memory_space<vmem>>
      %dma_start3A_47 = arith.constant 0 : i32
      %dma_start3A_48 = arith.constant 0 : i32
      %dma_start3A_49 = tpu.memref_slice %arg9[%dma_start3A_47, %dma_start3A_48] : memref<128x128xf32, #tpu.memory_space<vmem_shared>> -> memref<128x128xf32, #tpu.memory_space<vmem_shared>>
      tpu.enqueue_indirect_dma source(%arg7 : memref<128x128xf32, #tpu.memory_space<vmem>>) target(%dma_start3A_49 : memref<128x128xf32, #tpu.memory_space<vmem_shared>>) offsets(%dma_start3A_46 : memref<128xi32, #tpu.memory_space<vmem>>) semaphore(%run_scoped3A_44 : memref<!tpu.dma_semaphore, #tpu.memory_space<semaphore_mem>>) {add = true}
      %dma_wait3A = arith.constant 0 : i32
      %dma_wait3A_50 = tpu.memref_slice %arg8[%run_scoped3A, %dma_wait3A] : memref<1x128xi32, #tpu.memory_space<vmem>> -> memref<1x128xi32, #tpu.memory_space<vmem>>
      %dma_wait3A_51 = tpu.memref_squeeze %dma_wait3A_50 : memref<1x128xi32, #tpu.memory_space<vmem>> -> memref<128xi32, #tpu.memory_space<vmem>>
      %dma_wait3A_52 = arith.constant 0 : i32
      %dma_wait3A_53 = arith.constant 0 : i32
      %dma_wait3A_54 = tpu.memref_slice %arg9[%dma_wait3A_52, %dma_wait3A_53] : memref<128x128xf32, #tpu.memory_space<vmem_shared>> -> memref<128x128xf32, #tpu.memory_space<vmem_shared>>
      tpu.wait_indirect_dma semaphore(%run_scoped3A_44 : memref<!tpu.dma_semaphore, #tpu.memory_space<semaphore_mem>>) src(%arg7 : memref<128x128xf32, #tpu.memory_space<vmem>>) dst(%dma_wait3A_54 : memref<128x128xf32, #tpu.memory_space<vmem_shared>>)
      tpu.yield
    }) : () -> ()
    %barrier3A_39 = arith.constant 0 : index
    tpu.barrier barrier_id(%barrier3A_39)
    %mul3A_40 = arith.constant 8 : i32
    %mul3A_41 = arith.muli %arg1, %mul3A_40 : i32
    %mul3A_42 = arith.constant 8 : i32
    %mul3A_43 = arith.muli %arg1, %mul3A_42 : i32
    "tpu.region"() ({
      %run_scoped3A_44 = tpu.sem_alloc : memref<!tpu.dma_semaphore, #tpu.memory_space<semaphore_mem>>
      %dma_start3A = arith.constant 0 : i32
      %dma_start3A_45 = tpu.memref_slice %arg5[%arg0, %mul3A_43, %dma_start3A] : memref<2x128x128xf32, #tpu.memory_space<hbm>> -> memref<1x8x128xf32, #tpu.memory_space<hbm>>
      %dma_start3A_46 = tpu.memref_squeeze %dma_start3A_45 : memref<1x8x128xf32, #tpu.memory_space<hbm>> -> memref<8x128xf32, #tpu.memory_space<hbm>>
      %dma_start3A_47 = arith.constant 0 : i32
      %dma_start3A_48 = tpu.memref_slice %arg9[%mul3A_41, %dma_start3A_47] : memref<128x128xf32, #tpu.memory_space<vmem_shared>> -> memref<8x128xf32, #tpu.memory_space<vmem_shared>>
      tpu.enqueue_dma source(%dma_start3A_48 : memref<8x128xf32, #tpu.memory_space<vmem_shared>>) target(%dma_start3A_46 : memref<8x128xf32, #tpu.memory_space<hbm>>) target_semaphore(%run_scoped3A_44 : memref<!tpu.dma_semaphore, #tpu.memory_space<semaphore_mem>>)
      %dma_wait3A = arith.constant 0 : i32
      %dma_wait3A_49 = tpu.memref_slice %arg5[%arg0, %mul3A_43, %dma_wait3A] : memref<2x128x128xf32, #tpu.memory_space<hbm>> -> memref<1x8x128xf32, #tpu.memory_space<hbm>>
      %dma_wait3A_50 = tpu.memref_squeeze %dma_wait3A_49 : memref<1x8x128xf32, #tpu.memory_space<hbm>> -> memref<8x128xf32, #tpu.memory_space<hbm>>
      %dma_wait3A_51 = arith.constant 0 : i32
      %dma_wait3A_52 = tpu.memref_slice %arg9[%mul3A_41, %dma_wait3A_51] : memref<128x128xf32, #tpu.memory_space<vmem_shared>> -> memref<8x128xf32, #tpu.memory_space<vmem_shared>>
      tpu.wait_dma2 semaphore(%run_scoped3A_44 : memref<!tpu.dma_semaphore, #tpu.memory_space<semaphore_mem>>) src(%dma_wait3A_52 : memref<8x128xf32, #tpu.memory_space<vmem_shared>>) dst(%dma_wait3A_50 : memref<8x128xf32, #tpu.memory_space<hbm>>)
      tpu.yield
    }) : () -> ()
    return
  }
}

#map = affine_map<(d0, d1) -> (0, 0)>
module attributes {stable_mosaic.version = 14 : i64} {
  func.func @msg_kernel(%arg0: i32, %arg1: i32, %arg2: memref<10240x128xf32, #tpu.memory_space<hbm>>, %arg3: memref<2560x128xi32, #tpu.memory_space<hbm>>, %arg4: memref<2560x128xi32, #tpu.memory_space<hbm>>, %arg5: memref<640x128xf32, #tpu.memory_space<hbm>>, %arg6: memref<10240x128xf32, #tpu.memory_space<hbm>>, %arg7: memref<2x8x128xi32, #tpu.memory_space<vmem>>, %arg8: memref<2x8x128xi32, #tpu.memory_space<vmem>>, %arg9: memref<128x128xf32, #tpu.memory_space<vmem>>, %arg10: memref<128x128xf32, #tpu.memory_space<vmem>>, %arg11: memref<10240x128xf32, #tpu.memory_space<vmem_shared>>, %arg12: memref<!tpu.dma_semaphore, #tpu.memory_space<semaphore_mem>>, %arg13: memref<!tpu.dma_semaphore, #tpu.memory_space<semaphore_mem>>, %arg14: memref<!tpu.dma_semaphore, #tpu.memory_space<semaphore_mem>>, %arg15: memref<!tpu.dma_semaphore, #tpu.memory_space<semaphore_mem>>) attributes {dimension_semantics = [#tpu.dimension_semantics<core_parallel>, #tpu.dimension_semantics<subcore_parallel>], iteration_bounds = array<i64: 1, 16>, scalar_prefetch = 0 : i64, scratch_operands = 9 : i64, tpu.core_type = #tpu.core_type<sc_vector_subcore>, window_params = [{transform_indices = #map}, {transform_indices = #map}, {transform_indices = #map}, {transform_indices = #map}, {transform_indices = #map}]} {
    %mul3A = arith.constant 160 : i32
    %mul3A_0 = arith.muli %arg1, %mul3A : i32
    %add3A = arith.constant 0 : i32
    %add3A_1 = arith.addi %mul3A_0, %add3A : i32
    %dma_start3A = arith.constant 0 : i32
    %dma_start3A_2 = arith.constant 0 : i32
    %dma_start3A_3 = arith.constant 0 : i32
    %dma_start3A_4 = tpu.memref_slice %arg7[%dma_start3A, %dma_start3A_2, %dma_start3A_3] : memref<2x8x128xi32, #tpu.memory_space<vmem>> -> memref<1x8x128xi32, #tpu.memory_space<vmem>>
    %dma_start3A_5 = tpu.memref_squeeze %dma_start3A_4 : memref<1x8x128xi32, #tpu.memory_space<vmem>> -> memref<8x128xi32, #tpu.memory_space<vmem>>
    %dma_start3A_6 = arith.constant 0 : i32
    %dma_start3A_7 = tpu.memref_slice %arg3[%add3A_1, %dma_start3A_6] : memref<2560x128xi32, #tpu.memory_space<hbm>> -> memref<8x128xi32, #tpu.memory_space<hbm>>
    %dma_start3A_8 = arith.constant 0 : i32
    %dma_start3A_9 = arith.constant 0 : i32
    %dma_start3A_10 = tpu.memref_slice %arg7[%dma_start3A, %dma_start3A_8, %dma_start3A_9] : memref<2x8x128xi32, #tpu.memory_space<vmem>> -> memref<1x8x128xi32, #tpu.memory_space<vmem>>
    %dma_start3A_11 = tpu.memref_squeeze %dma_start3A_10 : memref<1x8x128xi32, #tpu.memory_space<vmem>> -> memref<8x128xi32, #tpu.memory_space<vmem>>
    %dma_start3A_12 = arith.constant 0 : i32
    %dma_start3A_13 = tpu.memref_slice %arg3[%add3A_1, %dma_start3A_12] : memref<2560x128xi32, #tpu.memory_space<hbm>> -> memref<8x128xi32, #tpu.memory_space<hbm>>
    tpu.enqueue_dma source(%dma_start3A_13 : memref<8x128xi32, #tpu.memory_space<hbm>>) target(%dma_start3A_11 : memref<8x128xi32, #tpu.memory_space<vmem>>) target_semaphore(%arg14 : memref<!tpu.dma_semaphore, #tpu.memory_space<semaphore_mem>>)
    %add3A_14 = arith.constant 0 : i32
    %add3A_15 = arith.addi %mul3A_0, %add3A_14 : i32
    %dma_start3A_16 = arith.constant 0 : i32
    %dma_start3A_17 = arith.constant 0 : i32
    %dma_start3A_18 = arith.constant 0 : i32
    %dma_start3A_19 = tpu.memref_slice %arg8[%dma_start3A_16, %dma_start3A_17, %dma_start3A_18] : memref<2x8x128xi32, #tpu.memory_space<vmem>> -> memref<1x8x128xi32, #tpu.memory_space<vmem>>
    %dma_start3A_20 = tpu.memref_squeeze %dma_start3A_19 : memref<1x8x128xi32, #tpu.memory_space<vmem>> -> memref<8x128xi32, #tpu.memory_space<vmem>>
    %dma_start3A_21 = arith.constant 0 : i32
    %dma_start3A_22 = tpu.memref_slice %arg4[%add3A_15, %dma_start3A_21] : memref<2560x128xi32, #tpu.memory_space<hbm>> -> memref<8x128xi32, #tpu.memory_space<hbm>>
    %dma_start3A_23 = arith.constant 0 : i32
    %dma_start3A_24 = arith.constant 0 : i32
    %dma_start3A_25 = tpu.memref_slice %arg8[%dma_start3A_16, %dma_start3A_23, %dma_start3A_24] : memref<2x8x128xi32, #tpu.memory_space<vmem>> -> memref<1x8x128xi32, #tpu.memory_space<vmem>>
    %dma_start3A_26 = tpu.memref_squeeze %dma_start3A_25 : memref<1x8x128xi32, #tpu.memory_space<vmem>> -> memref<8x128xi32, #tpu.memory_space<vmem>>
    %dma_start3A_27 = arith.constant 0 : i32
    %dma_start3A_28 = tpu.memref_slice %arg4[%add3A_15, %dma_start3A_27] : memref<2560x128xi32, #tpu.memory_space<hbm>> -> memref<8x128xi32, #tpu.memory_space<hbm>>
    tpu.enqueue_dma source(%dma_start3A_28 : memref<8x128xi32, #tpu.memory_space<hbm>>) target(%dma_start3A_26 : memref<8x128xi32, #tpu.memory_space<vmem>>) target_semaphore(%arg14 : memref<!tpu.dma_semaphore, #tpu.memory_space<semaphore_mem>>)
    %add3A_29 = arith.constant 8 : i32
    %add3A_30 = arith.addi %mul3A_0, %add3A_29 : i32
    %dma_start3A_31 = arith.constant 1 : i32
    %dma_start3A_32 = arith.constant 0 : i32
    %dma_start3A_33 = arith.constant 0 : i32
    %dma_start3A_34 = tpu.memref_slice %arg7[%dma_start3A_31, %dma_start3A_32, %dma_start3A_33] : memref<2x8x128xi32, #tpu.memory_space<vmem>> -> memref<1x8x128xi32, #tpu.memory_space<vmem>>
    %dma_start3A_35 = tpu.memref_squeeze %dma_start3A_34 : memref<1x8x128xi32, #tpu.memory_space<vmem>> -> memref<8x128xi32, #tpu.memory_space<vmem>>
    %dma_start3A_36 = arith.constant 0 : i32
    %dma_start3A_37 = tpu.memref_slice %arg3[%add3A_30, %dma_start3A_36] : memref<2560x128xi32, #tpu.memory_space<hbm>> -> memref<8x128xi32, #tpu.memory_space<hbm>>
    %dma_start3A_38 = arith.constant 0 : i32
    %dma_start3A_39 = arith.constant 0 : i32
    %dma_start3A_40 = tpu.memref_slice %arg7[%dma_start3A_31, %dma_start3A_38, %dma_start3A_39] : memref<2x8x128xi32, #tpu.memory_space<vmem>> -> memref<1x8x128xi32, #tpu.memory_space<vmem>>
    %dma_start3A_41 = tpu.memref_squeeze %dma_start3A_40 : memref<1x8x128xi32, #tpu.memory_space<vmem>> -> memref<8x128xi32, #tpu.memory_space<vmem>>
    %dma_start3A_42 = arith.constant 0 : i32
    %dma_start3A_43 = tpu.memref_slice %arg3[%add3A_30, %dma_start3A_42] : memref<2560x128xi32, #tpu.memory_space<hbm>> -> memref<8x128xi32, #tpu.memory_space<hbm>>
    tpu.enqueue_dma source(%dma_start3A_43 : memref<8x128xi32, #tpu.memory_space<hbm>>) target(%dma_start3A_41 : memref<8x128xi32, #tpu.memory_space<vmem>>) target_semaphore(%arg15 : memref<!tpu.dma_semaphore, #tpu.memory_space<semaphore_mem>>)
    %add3A_44 = arith.constant 8 : i32
    %add3A_45 = arith.addi %mul3A_0, %add3A_44 : i32
    %dma_start3A_46 = arith.constant 1 : i32
    %dma_start3A_47 = arith.constant 0 : i32
    %dma_start3A_48 = arith.constant 0 : i32
    %dma_start3A_49 = tpu.memref_slice %arg8[%dma_start3A_46, %dma_start3A_47, %dma_start3A_48] : memref<2x8x128xi32, #tpu.memory_space<vmem>> -> memref<1x8x128xi32, #tpu.memory_space<vmem>>
    %dma_start3A_50 = tpu.memref_squeeze %dma_start3A_49 : memref<1x8x128xi32, #tpu.memory_space<vmem>> -> memref<8x128xi32, #tpu.memory_space<vmem>>
    %dma_start3A_51 = arith.constant 0 : i32
    %dma_start3A_52 = tpu.memref_slice %arg4[%add3A_45, %dma_start3A_51] : memref<2560x128xi32, #tpu.memory_space<hbm>> -> memref<8x128xi32, #tpu.memory_space<hbm>>
    %dma_start3A_53 = arith.constant 0 : i32
    %dma_start3A_54 = arith.constant 0 : i32
    %dma_start3A_55 = tpu.memref_slice %arg8[%dma_start3A_46, %dma_start3A_53, %dma_start3A_54] : memref<2x8x128xi32, #tpu.memory_space<vmem>> -> memref<1x8x128xi32, #tpu.memory_space<vmem>>
    %dma_start3A_56 = tpu.memref_squeeze %dma_start3A_55 : memref<1x8x128xi32, #tpu.memory_space<vmem>> -> memref<8x128xi32, #tpu.memory_space<vmem>>
    %dma_start3A_57 = arith.constant 0 : i32
    %dma_start3A_58 = tpu.memref_slice %arg4[%add3A_45, %dma_start3A_57] : memref<2560x128xi32, #tpu.memory_space<hbm>> -> memref<8x128xi32, #tpu.memory_space<hbm>>
    tpu.enqueue_dma source(%dma_start3A_58 : memref<8x128xi32, #tpu.memory_space<hbm>>) target(%dma_start3A_56 : memref<8x128xi32, #tpu.memory_space<vmem>>) target_semaphore(%arg15 : memref<!tpu.dma_semaphore, #tpu.memory_space<semaphore_mem>>)
    %mul3A_59 = arith.constant 640 : i32
    %mul3A_60 = arith.muli %arg1, %mul3A_59 : i32
    "tpu.region"() ({
      %run_scoped3A = tpu.sem_alloc : memref<!tpu.dma_semaphore, #tpu.memory_space<semaphore_mem>>
      %dma_start3A_162 = arith.constant 0 : i32
      %dma_start3A_163 = tpu.memref_slice %arg11[%mul3A_60, %dma_start3A_162] : memref<10240x128xf32, #tpu.memory_space<vmem_shared>> -> memref<640x128xf32, #tpu.memory_space<vmem_shared>>
      tpu.enqueue_dma source(%arg5 : memref<640x128xf32, #tpu.memory_space<hbm>>) target(%dma_start3A_163 : memref<640x128xf32, #tpu.memory_space<vmem_shared>>) target_semaphore(%run_scoped3A : memref<!tpu.dma_semaphore, #tpu.memory_space<semaphore_mem>>)
      %dma_wait3A_164 = arith.constant 0 : i32
      %dma_wait3A_165 = tpu.memref_slice %arg11[%mul3A_60, %dma_wait3A_164] : memref<10240x128xf32, #tpu.memory_space<vmem_shared>> -> memref<640x128xf32, #tpu.memory_space<vmem_shared>>
      tpu.wait_dma2 semaphore(%run_scoped3A : memref<!tpu.dma_semaphore, #tpu.memory_space<semaphore_mem>>) src(%arg5 : memref<640x128xf32, #tpu.memory_space<hbm>>) dst(%dma_wait3A_165 : memref<640x128xf32, #tpu.memory_space<vmem_shared>>)
      tpu.yield
    }) : () -> ()
    %barrier3A = arith.constant 0 : index
    tpu.barrier barrier_id(%barrier3A)
    %dma_wait3A = arith.constant 0 : i32
    %dma_wait3A_61 = arith.constant 0 : i32
    %dma_wait3A_62 = arith.constant 0 : i32
    %dma_wait3A_63 = tpu.memref_slice %arg7[%dma_wait3A, %dma_wait3A_61, %dma_wait3A_62] : memref<2x8x128xi32, #tpu.memory_space<vmem>> -> memref<1x8x128xi32, #tpu.memory_space<vmem>>
    %dma_wait3A_64 = tpu.memref_squeeze %dma_wait3A_63 : memref<1x8x128xi32, #tpu.memory_space<vmem>> -> memref<8x128xi32, #tpu.memory_space<vmem>>
    %dma_wait3A_65 = arith.constant 0 : i32
    %dma_wait3A_66 = arith.constant 0 : i32
    %dma_wait3A_67 = tpu.memref_slice %arg3[%dma_wait3A_65, %dma_wait3A_66] : memref<2560x128xi32, #tpu.memory_space<hbm>> -> memref<8x128xi32, #tpu.memory_space<hbm>>
    %dma_wait3A_68 = arith.constant 0 : i32
    %dma_wait3A_69 = arith.constant 0 : i32
    %dma_wait3A_70 = tpu.memref_slice %arg7[%dma_wait3A, %dma_wait3A_68, %dma_wait3A_69] : memref<2x8x128xi32, #tpu.memory_space<vmem>> -> memref<1x8x128xi32, #tpu.memory_space<vmem>>
    %dma_wait3A_71 = tpu.memref_squeeze %dma_wait3A_70 : memref<1x8x128xi32, #tpu.memory_space<vmem>> -> memref<8x128xi32, #tpu.memory_space<vmem>>
    %dma_wait3A_72 = arith.constant 0 : i32
    %dma_wait3A_73 = arith.constant 0 : i32
    %dma_wait3A_74 = tpu.memref_slice %arg3[%dma_wait3A_72, %dma_wait3A_73] : memref<2560x128xi32, #tpu.memory_space<hbm>> -> memref<8x128xi32, #tpu.memory_space<hbm>>
    tpu.wait_dma2 semaphore(%arg14 : memref<!tpu.dma_semaphore, #tpu.memory_space<semaphore_mem>>) src(%dma_wait3A_74 : memref<8x128xi32, #tpu.memory_space<hbm>>) dst(%dma_wait3A_71 : memref<8x128xi32, #tpu.memory_space<vmem>>)
    %dma_wait3A_75 = arith.constant 0 : i32
    %dma_wait3A_76 = arith.constant 0 : i32
    %dma_wait3A_77 = arith.constant 0 : i32
    %dma_wait3A_78 = tpu.memref_slice %arg8[%dma_wait3A_75, %dma_wait3A_76, %dma_wait3A_77] : memref<2x8x128xi32, #tpu.memory_space<vmem>> -> memref<1x8x128xi32, #tpu.memory_space<vmem>>
    %dma_wait3A_79 = tpu.memref_squeeze %dma_wait3A_78 : memref<1x8x128xi32, #tpu.memory_space<vmem>> -> memref<8x128xi32, #tpu.memory_space<vmem>>
    %dma_wait3A_80 = arith.constant 0 : i32
    %dma_wait3A_81 = arith.constant 0 : i32
    %dma_wait3A_82 = tpu.memref_slice %arg4[%dma_wait3A_80, %dma_wait3A_81] : memref<2560x128xi32, #tpu.memory_space<hbm>> -> memref<8x128xi32, #tpu.memory_space<hbm>>
    %dma_wait3A_83 = arith.constant 0 : i32
    %dma_wait3A_84 = arith.constant 0 : i32
    %dma_wait3A_85 = tpu.memref_slice %arg8[%dma_wait3A_75, %dma_wait3A_83, %dma_wait3A_84] : memref<2x8x128xi32, #tpu.memory_space<vmem>> -> memref<1x8x128xi32, #tpu.memory_space<vmem>>
    %dma_wait3A_86 = tpu.memref_squeeze %dma_wait3A_85 : memref<1x8x128xi32, #tpu.memory_space<vmem>> -> memref<8x128xi32, #tpu.memory_space<vmem>>
    %dma_wait3A_87 = arith.constant 0 : i32
    %dma_wait3A_88 = arith.constant 0 : i32
    %dma_wait3A_89 = tpu.memref_slice %arg4[%dma_wait3A_87, %dma_wait3A_88] : memref<2560x128xi32, #tpu.memory_space<hbm>> -> memref<8x128xi32, #tpu.memory_space<hbm>>
    tpu.wait_dma2 semaphore(%arg14 : memref<!tpu.dma_semaphore, #tpu.memory_space<semaphore_mem>>) src(%dma_wait3A_89 : memref<8x128xi32, #tpu.memory_space<hbm>>) dst(%dma_wait3A_86 : memref<8x128xi32, #tpu.memory_space<vmem>>)
    %dma_start3A_90 = arith.constant 0 : i32
    %dma_start3A_91 = arith.constant 0 : i32
    %dma_start3A_92 = arith.constant 0 : i32
    %dma_start3A_93 = tpu.memref_slice %arg7[%dma_start3A_90, %dma_start3A_91, %dma_start3A_92] : memref<2x8x128xi32, #tpu.memory_space<vmem>> -> memref<1x1x128xi32, #tpu.memory_space<vmem>>
    %dma_start3A_94 = tpu.memref_squeeze %dma_start3A_93 : memref<1x1x128xi32, #tpu.memory_space<vmem>> -> memref<128xi32, #tpu.memory_space<vmem>>
    %dma_start3A_95 = arith.constant 0 : i32
    %dma_start3A_96 = arith.constant 0 : i32
    %dma_start3A_97 = tpu.memref_slice %arg2[%dma_start3A_95, %dma_start3A_96] : memref<10240x128xf32, #tpu.memory_space<hbm>> -> memref<10240x128xf32, #tpu.memory_space<hbm>>
    tpu.enqueue_indirect_dma source(%dma_start3A_97 : memref<10240x128xf32, #tpu.memory_space<hbm>>) target(%arg9 : memref<128x128xf32, #tpu.memory_space<vmem>>) offsets(%dma_start3A_94 : memref<128xi32, #tpu.memory_space<vmem>>) semaphore(%arg12 : memref<!tpu.dma_semaphore, #tpu.memory_space<semaphore_mem>>)
    %dma_start3A_98 = arith.constant 0 : i32
    %dma_start3A_99 = arith.constant 1 : i32
    %dma_start3A_100 = arith.constant 0 : i32
    %dma_start3A_101 = tpu.memref_slice %arg7[%dma_start3A_98, %dma_start3A_99, %dma_start3A_100] : memref<2x8x128xi32, #tpu.memory_space<vmem>> -> memref<1x1x128xi32, #tpu.memory_space<vmem>>
    %dma_start3A_102 = tpu.memref_squeeze %dma_start3A_101 : memref<1x1x128xi32, #tpu.memory_space<vmem>> -> memref<128xi32, #tpu.memory_space<vmem>>
    %dma_start3A_103 = arith.constant 0 : i32
    %dma_start3A_104 = arith.constant 0 : i32
    %dma_start3A_105 = tpu.memref_slice %arg2[%dma_start3A_103, %dma_start3A_104] : memref<10240x128xf32, #tpu.memory_space<hbm>> -> memref<10240x128xf32, #tpu.memory_space<hbm>>
    tpu.enqueue_indirect_dma source(%dma_start3A_105 : memref<10240x128xf32, #tpu.memory_space<hbm>>) target(%arg10 : memref<128x128xf32, #tpu.memory_space<vmem>>) offsets(%dma_start3A_102 : memref<128xi32, #tpu.memory_space<vmem>>) semaphore(%arg13 : memref<!tpu.dma_semaphore, #tpu.memory_space<semaphore_mem>>)
    %scan3A = arith.constant 0 : i32
    %scan3A_106 = arith.constant 0 : i32
    %scan3A_107 = arith.constant 10 : i32
    %scan3A_108 = arith.addi %scan3A_106, %scan3A_107 : i32
    %scan3A_109 = arith.constant 1 : i32
    scf.for %scan3A_162 = %scan3A_106 to %scan3A_108 step %scan3A_109  : i32 {
      %mul3A_163 = arith.constant 2 : i32
      %mul3A_164 = arith.muli %scan3A_162, %mul3A_163 : i32
      %add3A_165 = arith.constant 0 : i32
      %add3A_166 = arith.addi %mul3A_164, %add3A_165 : i32
      %dma_wait3A_167 = arith.constant 0 : i32
      %dma_wait3A_168 = arith.constant 0 : i32
      %dma_wait3A_169 = arith.constant 0 : i32
      %dma_wait3A_170 = tpu.memref_slice %arg7[%dma_wait3A_167, %dma_wait3A_168, %dma_wait3A_169] : memref<2x8x128xi32, #tpu.memory_space<vmem>> -> memref<1x1x128xi32, #tpu.memory_space<vmem>>
      %dma_wait3A_171 = tpu.memref_squeeze %dma_wait3A_170 : memref<1x1x128xi32, #tpu.memory_space<vmem>> -> memref<128xi32, #tpu.memory_space<vmem>>
      %dma_wait3A_172 = arith.constant 0 : i32
      %dma_wait3A_173 = arith.constant 0 : i32
      %dma_wait3A_174 = tpu.memref_slice %arg2[%dma_wait3A_172, %dma_wait3A_173] : memref<10240x128xf32, #tpu.memory_space<hbm>> -> memref<10240x128xf32, #tpu.memory_space<hbm>>
      tpu.wait_indirect_dma semaphore(%arg12 : memref<!tpu.dma_semaphore, #tpu.memory_space<semaphore_mem>>) src(%dma_wait3A_174 : memref<10240x128xf32, #tpu.memory_space<hbm>>) dst(%arg9 : memref<128x128xf32, #tpu.memory_space<vmem>>)
      %run_scoped3A = arith.constant 0 : i32
      %run_scoped3A_175 = arith.constant 0 : i32
      "tpu.region"() ({
        %run_scoped3A_589 = tpu.sem_alloc : memref<!tpu.dma_semaphore, #tpu.memory_space<semaphore_mem>>
        %dma_start3A_590 = arith.constant 0 : i32
        %dma_start3A_591 = tpu.memref_slice %arg8[%run_scoped3A, %run_scoped3A_175, %dma_start3A_590] : memref<2x8x128xi32, #tpu.memory_space<vmem>> -> memref<1x1x128xi32, #tpu.memory_space<vmem>>
        %dma_start3A_592 = tpu.memref_squeeze %dma_start3A_591 : memref<1x1x128xi32, #tpu.memory_space<vmem>> -> memref<128xi32, #tpu.memory_space<vmem>>
        %dma_start3A_593 = arith.constant 0 : i32
        %dma_start3A_594 = arith.constant 0 : i32
        %dma_start3A_595 = tpu.memref_slice %arg11[%dma_start3A_593, %dma_start3A_594] : memref<10240x128xf32, #tpu.memory_space<vmem_shared>> -> memref<10240x128xf32, #tpu.memory_space<vmem_shared>>
        tpu.enqueue_indirect_dma source(%arg9 : memref<128x128xf32, #tpu.memory_space<vmem>>) target(%dma_start3A_595 : memref<10240x128xf32, #tpu.memory_space<vmem_shared>>) offsets(%dma_start3A_592 : memref<128xi32, #tpu.memory_space<vmem>>) semaphore(%run_scoped3A_589 : memref<!tpu.dma_semaphore, #tpu.memory_space<semaphore_mem>>) {add = true}
        %dma_wait3A_596 = arith.constant 0 : i32
        %dma_wait3A_597 = tpu.memref_slice %arg8[%run_scoped3A, %run_scoped3A_175, %dma_wait3A_596] : memref<2x8x128xi32, #tpu.memory_space<vmem>> -> memref<1x1x128xi32, #tpu.memory_space<vmem>>
        %dma_wait3A_598 = tpu.memref_squeeze %dma_wait3A_597 : memref<1x1x128xi32, #tpu.memory_space<vmem>> -> memref<128xi32, #tpu.memory_space<vmem>>
        %dma_wait3A_599 = arith.constant 0 : i32
        %dma_wait3A_600 = arith.constant 0 : i32
        %dma_wait3A_601 = tpu.memref_slice %arg11[%dma_wait3A_599, %dma_wait3A_600] : memref<10240x128xf32, #tpu.memory_space<vmem_shared>> -> memref<10240x128xf32, #tpu.memory_space<vmem_shared>>
        tpu.wait_indirect_dma semaphore(%run_scoped3A_589 : memref<!tpu.dma_semaphore, #tpu.memory_space<semaphore_mem>>) src(%arg9 : memref<128x128xf32, #tpu.memory_space<vmem>>) dst(%dma_wait3A_601 : memref<10240x128xf32, #tpu.memory_space<vmem_shared>>)
        tpu.yield
      }) : () -> ()
      %dma_start3A_176 = arith.constant 0 : i32
      %dma_start3A_177 = arith.constant 2 : i32
      %dma_start3A_178 = arith.constant 0 : i32
      %dma_start3A_179 = tpu.memref_slice %arg7[%dma_start3A_176, %dma_start3A_177, %dma_start3A_178] : memref<2x8x128xi32, #tpu.memory_space<vmem>> -> memref<1x1x128xi32, #tpu.memory_space<vmem>>
      %dma_start3A_180 = tpu.memref_squeeze %dma_start3A_179 : memref<1x1x128xi32, #tpu.memory_space<vmem>> -> memref<128xi32, #tpu.memory_space<vmem>>
      %dma_start3A_181 = arith.constant 0 : i32
      %dma_start3A_182 = arith.constant 0 : i32
      %dma_start3A_183 = tpu.memref_slice %arg2[%dma_start3A_181, %dma_start3A_182] : memref<10240x128xf32, #tpu.memory_space<hbm>> -> memref<10240x128xf32, #tpu.memory_space<hbm>>
      tpu.enqueue_indirect_dma source(%dma_start3A_183 : memref<10240x128xf32, #tpu.memory_space<hbm>>) target(%arg9 : memref<128x128xf32, #tpu.memory_space<vmem>>) offsets(%dma_start3A_180 : memref<128xi32, #tpu.memory_space<vmem>>) semaphore(%arg12 : memref<!tpu.dma_semaphore, #tpu.memory_space<semaphore_mem>>)
      %dma_wait3A_184 = arith.constant 0 : i32
      %dma_wait3A_185 = arith.constant 0 : i32
      %dma_wait3A_186 = arith.constant 0 : i32
      %dma_wait3A_187 = tpu.memref_slice %arg7[%dma_wait3A_184, %dma_wait3A_185, %dma_wait3A_186] : memref<2x8x128xi32, #tpu.memory_space<vmem>> -> memref<1x1x128xi32, #tpu.memory_space<vmem>>
      %dma_wait3A_188 = tpu.memref_squeeze %dma_wait3A_187 : memref<1x1x128xi32, #tpu.memory_space<vmem>> -> memref<128xi32, #tpu.memory_space<vmem>>
      %dma_wait3A_189 = arith.constant 0 : i32
      %dma_wait3A_190 = arith.constant 0 : i32
      %dma_wait3A_191 = tpu.memref_slice %arg2[%dma_wait3A_189, %dma_wait3A_190] : memref<10240x128xf32, #tpu.memory_space<hbm>> -> memref<10240x128xf32, #tpu.memory_space<hbm>>
      tpu.wait_indirect_dma semaphore(%arg13 : memref<!tpu.dma_semaphore, #tpu.memory_space<semaphore_mem>>) src(%dma_wait3A_191 : memref<10240x128xf32, #tpu.memory_space<hbm>>) dst(%arg10 : memref<128x128xf32, #tpu.memory_space<vmem>>)
      %run_scoped3A_192 = arith.constant 0 : i32
      %run_scoped3A_193 = arith.constant 1 : i32
      "tpu.region"() ({
        %run_scoped3A_589 = tpu.sem_alloc : memref<!tpu.dma_semaphore, #tpu.memory_space<semaphore_mem>>
        %dma_start3A_590 = arith.constant 0 : i32
        %dma_start3A_591 = tpu.memref_slice %arg8[%run_scoped3A_192, %run_scoped3A_193, %dma_start3A_590] : memref<2x8x128xi32, #tpu.memory_space<vmem>> -> memref<1x1x128xi32, #tpu.memory_space<vmem>>
        %dma_start3A_592 = tpu.memref_squeeze %dma_start3A_591 : memref<1x1x128xi32, #tpu.memory_space<vmem>> -> memref<128xi32, #tpu.memory_space<vmem>>
        %dma_start3A_593 = arith.constant 0 : i32
        %dma_start3A_594 = arith.constant 0 : i32
        %dma_start3A_595 = tpu.memref_slice %arg11[%dma_start3A_593, %dma_start3A_594] : memref<10240x128xf32, #tpu.memory_space<vmem_shared>> -> memref<10240x128xf32, #tpu.memory_space<vmem_shared>>
        tpu.enqueue_indirect_dma source(%arg10 : memref<128x128xf32, #tpu.memory_space<vmem>>) target(%dma_start3A_595 : memref<10240x128xf32, #tpu.memory_space<vmem_shared>>) offsets(%dma_start3A_592 : memref<128xi32, #tpu.memory_space<vmem>>) semaphore(%run_scoped3A_589 : memref<!tpu.dma_semaphore, #tpu.memory_space<semaphore_mem>>) {add = true}
        %dma_wait3A_596 = arith.constant 0 : i32
        %dma_wait3A_597 = tpu.memref_slice %arg8[%run_scoped3A_192, %run_scoped3A_193, %dma_wait3A_596] : memref<2x8x128xi32, #tpu.memory_space<vmem>> -> memref<1x1x128xi32, #tpu.memory_space<vmem>>
        %dma_wait3A_598 = tpu.memref_squeeze %dma_wait3A_597 : memref<1x1x128xi32, #tpu.memory_space<vmem>> -> memref<128xi32, #tpu.memory_space<vmem>>
        %dma_wait3A_599 = arith.constant 0 : i32
        %dma_wait3A_600 = arith.constant 0 : i32
        %dma_wait3A_601 = tpu.memref_slice %arg11[%dma_wait3A_599, %dma_wait3A_600] : memref<10240x128xf32, #tpu.memory_space<vmem_shared>> -> memref<10240x128xf32, #tpu.memory_space<vmem_shared>>
        tpu.wait_indirect_dma semaphore(%run_scoped3A_589 : memref<!tpu.dma_semaphore, #tpu.memory_space<semaphore_mem>>) src(%arg10 : memref<128x128xf32, #tpu.memory_space<vmem>>) dst(%dma_wait3A_601 : memref<10240x128xf32, #tpu.memory_space<vmem_shared>>)
        tpu.yield
      }) : () -> ()
      %dma_start3A_194 = arith.constant 0 : i32
      %dma_start3A_195 = arith.constant 3 : i32
      %dma_start3A_196 = arith.constant 0 : i32
      %dma_start3A_197 = tpu.memref_slice %arg7[%dma_start3A_194, %dma_start3A_195, %dma_start3A_196] : memref<2x8x128xi32, #tpu.memory_space<vmem>> -> memref<1x1x128xi32, #tpu.memory_space<vmem>>
      %dma_start3A_198 = tpu.memref_squeeze %dma_start3A_197 : memref<1x1x128xi32, #tpu.memory_space<vmem>> -> memref<128xi32, #tpu.memory_space<vmem>>
      %dma_start3A_199 = arith.constant 0 : i32
      %dma_start3A_200 = arith.constant 0 : i32
      %dma_start3A_201 = tpu.memref_slice %arg2[%dma_start3A_199, %dma_start3A_200] : memref<10240x128xf32, #tpu.memory_space<hbm>> -> memref<10240x128xf32, #tpu.memory_space<hbm>>
      tpu.enqueue_indirect_dma source(%dma_start3A_201 : memref<10240x128xf32, #tpu.memory_space<hbm>>) target(%arg10 : memref<128x128xf32, #tpu.memory_space<vmem>>) offsets(%dma_start3A_198 : memref<128xi32, #tpu.memory_space<vmem>>) semaphore(%arg13 : memref<!tpu.dma_semaphore, #tpu.memory_space<semaphore_mem>>)
      %dma_wait3A_202 = arith.constant 0 : i32
      %dma_wait3A_203 = arith.constant 0 : i32
      %dma_wait3A_204 = arith.constant 0 : i32
      %dma_wait3A_205 = tpu.memref_slice %arg7[%dma_wait3A_202, %dma_wait3A_203, %dma_wait3A_204] : memref<2x8x128xi32, #tpu.memory_space<vmem>> -> memref<1x1x128xi32, #tpu.memory_space<vmem>>
      %dma_wait3A_206 = tpu.memref_squeeze %dma_wait3A_205 : memref<1x1x128xi32, #tpu.memory_space<vmem>> -> memref<128xi32, #tpu.memory_space<vmem>>
      %dma_wait3A_207 = arith.constant 0 : i32
      %dma_wait3A_208 = arith.constant 0 : i32
      %dma_wait3A_209 = tpu.memref_slice %arg2[%dma_wait3A_207, %dma_wait3A_208] : memref<10240x128xf32, #tpu.memory_space<hbm>> -> memref<10240x128xf32, #tpu.memory_space<hbm>>
      tpu.wait_indirect_dma semaphore(%arg12 : memref<!tpu.dma_semaphore, #tpu.memory_space<semaphore_mem>>) src(%dma_wait3A_209 : memref<10240x128xf32, #tpu.memory_space<hbm>>) dst(%arg9 : memref<128x128xf32, #tpu.memory_space<vmem>>)
      %run_scoped3A_210 = arith.constant 0 : i32
      %run_scoped3A_211 = arith.constant 2 : i32
      "tpu.region"() ({
        %run_scoped3A_589 = tpu.sem_alloc : memref<!tpu.dma_semaphore, #tpu.memory_space<semaphore_mem>>
        %dma_start3A_590 = arith.constant 0 : i32
        %dma_start3A_591 = tpu.memref_slice %arg8[%run_scoped3A_210, %run_scoped3A_211, %dma_start3A_590] : memref<2x8x128xi32, #tpu.memory_space<vmem>> -> memref<1x1x128xi32, #tpu.memory_space<vmem>>
        %dma_start3A_592 = tpu.memref_squeeze %dma_start3A_591 : memref<1x1x128xi32, #tpu.memory_space<vmem>> -> memref<128xi32, #tpu.memory_space<vmem>>
        %dma_start3A_593 = arith.constant 0 : i32
        %dma_start3A_594 = arith.constant 0 : i32
        %dma_start3A_595 = tpu.memref_slice %arg11[%dma_start3A_593, %dma_start3A_594] : memref<10240x128xf32, #tpu.memory_space<vmem_shared>> -> memref<10240x128xf32, #tpu.memory_space<vmem_shared>>
        tpu.enqueue_indirect_dma source(%arg9 : memref<128x128xf32, #tpu.memory_space<vmem>>) target(%dma_start3A_595 : memref<10240x128xf32, #tpu.memory_space<vmem_shared>>) offsets(%dma_start3A_592 : memref<128xi32, #tpu.memory_space<vmem>>) semaphore(%run_scoped3A_589 : memref<!tpu.dma_semaphore, #tpu.memory_space<semaphore_mem>>) {add = true}
        %dma_wait3A_596 = arith.constant 0 : i32
        %dma_wait3A_597 = tpu.memref_slice %arg8[%run_scoped3A_210, %run_scoped3A_211, %dma_wait3A_596] : memref<2x8x128xi32, #tpu.memory_space<vmem>> -> memref<1x1x128xi32, #tpu.memory_space<vmem>>
        %dma_wait3A_598 = tpu.memref_squeeze %dma_wait3A_597 : memref<1x1x128xi32, #tpu.memory_space<vmem>> -> memref<128xi32, #tpu.memory_space<vmem>>
        %dma_wait3A_599 = arith.constant 0 : i32
        %dma_wait3A_600 = arith.constant 0 : i32
        %dma_wait3A_601 = tpu.memref_slice %arg11[%dma_wait3A_599, %dma_wait3A_600] : memref<10240x128xf32, #tpu.memory_space<vmem_shared>> -> memref<10240x128xf32, #tpu.memory_space<vmem_shared>>
        tpu.wait_indirect_dma semaphore(%run_scoped3A_589 : memref<!tpu.dma_semaphore, #tpu.memory_space<semaphore_mem>>) src(%arg9 : memref<128x128xf32, #tpu.memory_space<vmem>>) dst(%dma_wait3A_601 : memref<10240x128xf32, #tpu.memory_space<vmem_shared>>)
        tpu.yield
      }) : () -> ()
      %dma_start3A_212 = arith.constant 0 : i32
      %dma_start3A_213 = arith.constant 4 : i32
      %dma_start3A_214 = arith.constant 0 : i32
      %dma_start3A_215 = tpu.memref_slice %arg7[%dma_start3A_212, %dma_start3A_213, %dma_start3A_214] : memref<2x8x128xi32, #tpu.memory_space<vmem>> -> memref<1x1x128xi32, #tpu.memory_space<vmem>>
      %dma_start3A_216 = tpu.memref_squeeze %dma_start3A_215 : memref<1x1x128xi32, #tpu.memory_space<vmem>> -> memref<128xi32, #tpu.memory_space<vmem>>
      %dma_start3A_217 = arith.constant 0 : i32
      %dma_start3A_218 = arith.constant 0 : i32
      %dma_start3A_219 = tpu.memref_slice %arg2[%dma_start3A_217, %dma_start3A_218] : memref<10240x128xf32, #tpu.memory_space<hbm>> -> memref<10240x128xf32, #tpu.memory_space<hbm>>
      tpu.enqueue_indirect_dma source(%dma_start3A_219 : memref<10240x128xf32, #tpu.memory_space<hbm>>) target(%arg9 : memref<128x128xf32, #tpu.memory_space<vmem>>) offsets(%dma_start3A_216 : memref<128xi32, #tpu.memory_space<vmem>>) semaphore(%arg12 : memref<!tpu.dma_semaphore, #tpu.memory_space<semaphore_mem>>)
      %dma_wait3A_220 = arith.constant 0 : i32
      %dma_wait3A_221 = arith.constant 0 : i32
      %dma_wait3A_222 = arith.constant 0 : i32
      %dma_wait3A_223 = tpu.memref_slice %arg7[%dma_wait3A_220, %dma_wait3A_221, %dma_wait3A_222] : memref<2x8x128xi32, #tpu.memory_space<vmem>> -> memref<1x1x128xi32, #tpu.memory_space<vmem>>
      %dma_wait3A_224 = tpu.memref_squeeze %dma_wait3A_223 : memref<1x1x128xi32, #tpu.memory_space<vmem>> -> memref<128xi32, #tpu.memory_space<vmem>>
      %dma_wait3A_225 = arith.constant 0 : i32
      %dma_wait3A_226 = arith.constant 0 : i32
      %dma_wait3A_227 = tpu.memref_slice %arg2[%dma_wait3A_225, %dma_wait3A_226] : memref<10240x128xf32, #tpu.memory_space<hbm>> -> memref<10240x128xf32, #tpu.memory_space<hbm>>
      tpu.wait_indirect_dma semaphore(%arg13 : memref<!tpu.dma_semaphore, #tpu.memory_space<semaphore_mem>>) src(%dma_wait3A_227 : memref<10240x128xf32, #tpu.memory_space<hbm>>) dst(%arg10 : memref<128x128xf32, #tpu.memory_space<vmem>>)
      %run_scoped3A_228 = arith.constant 0 : i32
      %run_scoped3A_229 = arith.constant 3 : i32
      "tpu.region"() ({
        %run_scoped3A_589 = tpu.sem_alloc : memref<!tpu.dma_semaphore, #tpu.memory_space<semaphore_mem>>
        %dma_start3A_590 = arith.constant 0 : i32
        %dma_start3A_591 = tpu.memref_slice %arg8[%run_scoped3A_228, %run_scoped3A_229, %dma_start3A_590] : memref<2x8x128xi32, #tpu.memory_space<vmem>> -> memref<1x1x128xi32, #tpu.memory_space<vmem>>
        %dma_start3A_592 = tpu.memref_squeeze %dma_start3A_591 : memref<1x1x128xi32, #tpu.memory_space<vmem>> -> memref<128xi32, #tpu.memory_space<vmem>>
        %dma_start3A_593 = arith.constant 0 : i32
        %dma_start3A_594 = arith.constant 0 : i32
        %dma_start3A_595 = tpu.memref_slice %arg11[%dma_start3A_593, %dma_start3A_594] : memref<10240x128xf32, #tpu.memory_space<vmem_shared>> -> memref<10240x128xf32, #tpu.memory_space<vmem_shared>>
        tpu.enqueue_indirect_dma source(%arg10 : memref<128x128xf32, #tpu.memory_space<vmem>>) target(%dma_start3A_595 : memref<10240x128xf32, #tpu.memory_space<vmem_shared>>) offsets(%dma_start3A_592 : memref<128xi32, #tpu.memory_space<vmem>>) semaphore(%run_scoped3A_589 : memref<!tpu.dma_semaphore, #tpu.memory_space<semaphore_mem>>) {add = true}
        %dma_wait3A_596 = arith.constant 0 : i32
        %dma_wait3A_597 = tpu.memref_slice %arg8[%run_scoped3A_228, %run_scoped3A_229, %dma_wait3A_596] : memref<2x8x128xi32, #tpu.memory_space<vmem>> -> memref<1x1x128xi32, #tpu.memory_space<vmem>>
        %dma_wait3A_598 = tpu.memref_squeeze %dma_wait3A_597 : memref<1x1x128xi32, #tpu.memory_space<vmem>> -> memref<128xi32, #tpu.memory_space<vmem>>
        %dma_wait3A_599 = arith.constant 0 : i32
        %dma_wait3A_600 = arith.constant 0 : i32
        %dma_wait3A_601 = tpu.memref_slice %arg11[%dma_wait3A_599, %dma_wait3A_600] : memref<10240x128xf32, #tpu.memory_space<vmem_shared>> -> memref<10240x128xf32, #tpu.memory_space<vmem_shared>>
        tpu.wait_indirect_dma semaphore(%run_scoped3A_589 : memref<!tpu.dma_semaphore, #tpu.memory_space<semaphore_mem>>) src(%arg10 : memref<128x128xf32, #tpu.memory_space<vmem>>) dst(%dma_wait3A_601 : memref<10240x128xf32, #tpu.memory_space<vmem_shared>>)
        tpu.yield
      }) : () -> ()
      %dma_start3A_230 = arith.constant 0 : i32
      %dma_start3A_231 = arith.constant 5 : i32
      %dma_start3A_232 = arith.constant 0 : i32
      %dma_start3A_233 = tpu.memref_slice %arg7[%dma_start3A_230, %dma_start3A_231, %dma_start3A_232] : memref<2x8x128xi32, #tpu.memory_space<vmem>> -> memref<1x1x128xi32, #tpu.memory_space<vmem>>
      %dma_start3A_234 = tpu.memref_squeeze %dma_start3A_233 : memref<1x1x128xi32, #tpu.memory_space<vmem>> -> memref<128xi32, #tpu.memory_space<vmem>>
      %dma_start3A_235 = arith.constant 0 : i32
      %dma_start3A_236 = arith.constant 0 : i32
      %dma_start3A_237 = tpu.memref_slice %arg2[%dma_start3A_235, %dma_start3A_236] : memref<10240x128xf32, #tpu.memory_space<hbm>> -> memref<10240x128xf32, #tpu.memory_space<hbm>>
      tpu.enqueue_indirect_dma source(%dma_start3A_237 : memref<10240x128xf32, #tpu.memory_space<hbm>>) target(%arg10 : memref<128x128xf32, #tpu.memory_space<vmem>>) offsets(%dma_start3A_234 : memref<128xi32, #tpu.memory_space<vmem>>) semaphore(%arg13 : memref<!tpu.dma_semaphore, #tpu.memory_space<semaphore_mem>>)
      %dma_wait3A_238 = arith.constant 0 : i32
      %dma_wait3A_239 = arith.constant 0 : i32
      %dma_wait3A_240 = arith.constant 0 : i32
      %dma_wait3A_241 = tpu.memref_slice %arg7[%dma_wait3A_238, %dma_wait3A_239, %dma_wait3A_240] : memref<2x8x128xi32, #tpu.memory_space<vmem>> -> memref<1x1x128xi32, #tpu.memory_space<vmem>>
      %dma_wait3A_242 = tpu.memref_squeeze %dma_wait3A_241 : memref<1x1x128xi32, #tpu.memory_space<vmem>> -> memref<128xi32, #tpu.memory_space<vmem>>
      %dma_wait3A_243 = arith.constant 0 : i32
      %dma_wait3A_244 = arith.constant 0 : i32
      %dma_wait3A_245 = tpu.memref_slice %arg2[%dma_wait3A_243, %dma_wait3A_244] : memref<10240x128xf32, #tpu.memory_space<hbm>> -> memref<10240x128xf32, #tpu.memory_space<hbm>>
      tpu.wait_indirect_dma semaphore(%arg12 : memref<!tpu.dma_semaphore, #tpu.memory_space<semaphore_mem>>) src(%dma_wait3A_245 : memref<10240x128xf32, #tpu.memory_space<hbm>>) dst(%arg9 : memref<128x128xf32, #tpu.memory_space<vmem>>)
      %run_scoped3A_246 = arith.constant 0 : i32
      %run_scoped3A_247 = arith.constant 4 : i32
      "tpu.region"() ({
        %run_scoped3A_589 = tpu.sem_alloc : memref<!tpu.dma_semaphore, #tpu.memory_space<semaphore_mem>>
        %dma_start3A_590 = arith.constant 0 : i32
        %dma_start3A_591 = tpu.memref_slice %arg8[%run_scoped3A_246, %run_scoped3A_247, %dma_start3A_590] : memref<2x8x128xi32, #tpu.memory_space<vmem>> -> memref<1x1x128xi32, #tpu.memory_space<vmem>>
        %dma_start3A_592 = tpu.memref_squeeze %dma_start3A_591 : memref<1x1x128xi32, #tpu.memory_space<vmem>> -> memref<128xi32, #tpu.memory_space<vmem>>
        %dma_start3A_593 = arith.constant 0 : i32
        %dma_start3A_594 = arith.constant 0 : i32
        %dma_start3A_595 = tpu.memref_slice %arg11[%dma_start3A_593, %dma_start3A_594] : memref<10240x128xf32, #tpu.memory_space<vmem_shared>> -> memref<10240x128xf32, #tpu.memory_space<vmem_shared>>
        tpu.enqueue_indirect_dma source(%arg9 : memref<128x128xf32, #tpu.memory_space<vmem>>) target(%dma_start3A_595 : memref<10240x128xf32, #tpu.memory_space<vmem_shared>>) offsets(%dma_start3A_592 : memref<128xi32, #tpu.memory_space<vmem>>) semaphore(%run_scoped3A_589 : memref<!tpu.dma_semaphore, #tpu.memory_space<semaphore_mem>>) {add = true}
        %dma_wait3A_596 = arith.constant 0 : i32
        %dma_wait3A_597 = tpu.memref_slice %arg8[%run_scoped3A_246, %run_scoped3A_247, %dma_wait3A_596] : memref<2x8x128xi32, #tpu.memory_space<vmem>> -> memref<1x1x128xi32, #tpu.memory_space<vmem>>
        %dma_wait3A_598 = tpu.memref_squeeze %dma_wait3A_597 : memref<1x1x128xi32, #tpu.memory_space<vmem>> -> memref<128xi32, #tpu.memory_space<vmem>>
        %dma_wait3A_599 = arith.constant 0 : i32
        %dma_wait3A_600 = arith.constant 0 : i32
        %dma_wait3A_601 = tpu.memref_slice %arg11[%dma_wait3A_599, %dma_wait3A_600] : memref<10240x128xf32, #tpu.memory_space<vmem_shared>> -> memref<10240x128xf32, #tpu.memory_space<vmem_shared>>
        tpu.wait_indirect_dma semaphore(%run_scoped3A_589 : memref<!tpu.dma_semaphore, #tpu.memory_space<semaphore_mem>>) src(%arg9 : memref<128x128xf32, #tpu.memory_space<vmem>>) dst(%dma_wait3A_601 : memref<10240x128xf32, #tpu.memory_space<vmem_shared>>)
        tpu.yield
      }) : () -> ()
      %dma_start3A_248 = arith.constant 0 : i32
      %dma_start3A_249 = arith.constant 6 : i32
      %dma_start3A_250 = arith.constant 0 : i32
      %dma_start3A_251 = tpu.memref_slice %arg7[%dma_start3A_248, %dma_start3A_249, %dma_start3A_250] : memref<2x8x128xi32, #tpu.memory_space<vmem>> -> memref<1x1x128xi32, #tpu.memory_space<vmem>>
      %dma_start3A_252 = tpu.memref_squeeze %dma_start3A_251 : memref<1x1x128xi32, #tpu.memory_space<vmem>> -> memref<128xi32, #tpu.memory_space<vmem>>
      %dma_start3A_253 = arith.constant 0 : i32
      %dma_start3A_254 = arith.constant 0 : i32
      %dma_start3A_255 = tpu.memref_slice %arg2[%dma_start3A_253, %dma_start3A_254] : memref<10240x128xf32, #tpu.memory_space<hbm>> -> memref<10240x128xf32, #tpu.memory_space<hbm>>
      tpu.enqueue_indirect_dma source(%dma_start3A_255 : memref<10240x128xf32, #tpu.memory_space<hbm>>) target(%arg9 : memref<128x128xf32, #tpu.memory_space<vmem>>) offsets(%dma_start3A_252 : memref<128xi32, #tpu.memory_space<vmem>>) semaphore(%arg12 : memref<!tpu.dma_semaphore, #tpu.memory_space<semaphore_mem>>)
      %dma_wait3A_256 = arith.constant 0 : i32
      %dma_wait3A_257 = arith.constant 0 : i32
      %dma_wait3A_258 = arith.constant 0 : i32
      %dma_wait3A_259 = tpu.memref_slice %arg7[%dma_wait3A_256, %dma_wait3A_257, %dma_wait3A_258] : memref<2x8x128xi32, #tpu.memory_space<vmem>> -> memref<1x1x128xi32, #tpu.memory_space<vmem>>
      %dma_wait3A_260 = tpu.memref_squeeze %dma_wait3A_259 : memref<1x1x128xi32, #tpu.memory_space<vmem>> -> memref<128xi32, #tpu.memory_space<vmem>>
      %dma_wait3A_261 = arith.constant 0 : i32
      %dma_wait3A_262 = arith.constant 0 : i32
      %dma_wait3A_263 = tpu.memref_slice %arg2[%dma_wait3A_261, %dma_wait3A_262] : memref<10240x128xf32, #tpu.memory_space<hbm>> -> memref<10240x128xf32, #tpu.memory_space<hbm>>
      tpu.wait_indirect_dma semaphore(%arg13 : memref<!tpu.dma_semaphore, #tpu.memory_space<semaphore_mem>>) src(%dma_wait3A_263 : memref<10240x128xf32, #tpu.memory_space<hbm>>) dst(%arg10 : memref<128x128xf32, #tpu.memory_space<vmem>>)
      %run_scoped3A_264 = arith.constant 0 : i32
      %run_scoped3A_265 = arith.constant 5 : i32
      "tpu.region"() ({
        %run_scoped3A_589 = tpu.sem_alloc : memref<!tpu.dma_semaphore, #tpu.memory_space<semaphore_mem>>
        %dma_start3A_590 = arith.constant 0 : i32
        %dma_start3A_591 = tpu.memref_slice %arg8[%run_scoped3A_264, %run_scoped3A_265, %dma_start3A_590] : memref<2x8x128xi32, #tpu.memory_space<vmem>> -> memref<1x1x128xi32, #tpu.memory_space<vmem>>
        %dma_start3A_592 = tpu.memref_squeeze %dma_start3A_591 : memref<1x1x128xi32, #tpu.memory_space<vmem>> -> memref<128xi32, #tpu.memory_space<vmem>>
        %dma_start3A_593 = arith.constant 0 : i32
        %dma_start3A_594 = arith.constant 0 : i32
        %dma_start3A_595 = tpu.memref_slice %arg11[%dma_start3A_593, %dma_start3A_594] : memref<10240x128xf32, #tpu.memory_space<vmem_shared>> -> memref<10240x128xf32, #tpu.memory_space<vmem_shared>>
        tpu.enqueue_indirect_dma source(%arg10 : memref<128x128xf32, #tpu.memory_space<vmem>>) target(%dma_start3A_595 : memref<10240x128xf32, #tpu.memory_space<vmem_shared>>) offsets(%dma_start3A_592 : memref<128xi32, #tpu.memory_space<vmem>>) semaphore(%run_scoped3A_589 : memref<!tpu.dma_semaphore, #tpu.memory_space<semaphore_mem>>) {add = true}
        %dma_wait3A_596 = arith.constant 0 : i32
        %dma_wait3A_597 = tpu.memref_slice %arg8[%run_scoped3A_264, %run_scoped3A_265, %dma_wait3A_596] : memref<2x8x128xi32, #tpu.memory_space<vmem>> -> memref<1x1x128xi32, #tpu.memory_space<vmem>>
        %dma_wait3A_598 = tpu.memref_squeeze %dma_wait3A_597 : memref<1x1x128xi32, #tpu.memory_space<vmem>> -> memref<128xi32, #tpu.memory_space<vmem>>
        %dma_wait3A_599 = arith.constant 0 : i32
        %dma_wait3A_600 = arith.constant 0 : i32
        %dma_wait3A_601 = tpu.memref_slice %arg11[%dma_wait3A_599, %dma_wait3A_600] : memref<10240x128xf32, #tpu.memory_space<vmem_shared>> -> memref<10240x128xf32, #tpu.memory_space<vmem_shared>>
        tpu.wait_indirect_dma semaphore(%run_scoped3A_589 : memref<!tpu.dma_semaphore, #tpu.memory_space<semaphore_mem>>) src(%arg10 : memref<128x128xf32, #tpu.memory_space<vmem>>) dst(%dma_wait3A_601 : memref<10240x128xf32, #tpu.memory_space<vmem_shared>>)
        tpu.yield
      }) : () -> ()
      %dma_wait3A_266 = arith.constant 1 : i32
      %dma_wait3A_267 = arith.constant 0 : i32
      %dma_wait3A_268 = arith.constant 0 : i32
      %dma_wait3A_269 = tpu.memref_slice %arg7[%dma_wait3A_266, %dma_wait3A_267, %dma_wait3A_268] : memref<2x8x128xi32, #tpu.memory_space<vmem>> -> memref<1x8x128xi32, #tpu.memory_space<vmem>>
      %dma_wait3A_270 = tpu.memref_squeeze %dma_wait3A_269 : memref<1x8x128xi32, #tpu.memory_space<vmem>> -> memref<8x128xi32, #tpu.memory_space<vmem>>
      %dma_wait3A_271 = arith.constant 0 : i32
      %dma_wait3A_272 = arith.constant 0 : i32
      %dma_wait3A_273 = tpu.memref_slice %arg3[%dma_wait3A_271, %dma_wait3A_272] : memref<2560x128xi32, #tpu.memory_space<hbm>> -> memref<8x128xi32, #tpu.memory_space<hbm>>
      %dma_wait3A_274 = arith.constant 0 : i32
      %dma_wait3A_275 = arith.constant 0 : i32
      %dma_wait3A_276 = tpu.memref_slice %arg7[%dma_wait3A_266, %dma_wait3A_274, %dma_wait3A_275] : memref<2x8x128xi32, #tpu.memory_space<vmem>> -> memref<1x8x128xi32, #tpu.memory_space<vmem>>
      %dma_wait3A_277 = tpu.memref_squeeze %dma_wait3A_276 : memref<1x8x128xi32, #tpu.memory_space<vmem>> -> memref<8x128xi32, #tpu.memory_space<vmem>>
      %dma_wait3A_278 = arith.constant 0 : i32
      %dma_wait3A_279 = arith.constant 0 : i32
      %dma_wait3A_280 = tpu.memref_slice %arg3[%dma_wait3A_278, %dma_wait3A_279] : memref<2560x128xi32, #tpu.memory_space<hbm>> -> memref<8x128xi32, #tpu.memory_space<hbm>>
      tpu.wait_dma2 semaphore(%arg15 : memref<!tpu.dma_semaphore, #tpu.memory_space<semaphore_mem>>) src(%dma_wait3A_280 : memref<8x128xi32, #tpu.memory_space<hbm>>) dst(%dma_wait3A_277 : memref<8x128xi32, #tpu.memory_space<vmem>>)
      %dma_wait3A_281 = arith.constant 1 : i32
      %dma_wait3A_282 = arith.constant 0 : i32
      %dma_wait3A_283 = arith.constant 0 : i32
      %dma_wait3A_284 = tpu.memref_slice %arg8[%dma_wait3A_281, %dma_wait3A_282, %dma_wait3A_283] : memref<2x8x128xi32, #tpu.memory_space<vmem>> -> memref<1x8x128xi32, #tpu.memory_space<vmem>>
      %dma_wait3A_285 = tpu.memref_squeeze %dma_wait3A_284 : memref<1x8x128xi32, #tpu.memory_space<vmem>> -> memref<8x128xi32, #tpu.memory_space<vmem>>
      %dma_wait3A_286 = arith.constant 0 : i32
      %dma_wait3A_287 = arith.constant 0 : i32
      %dma_wait3A_288 = tpu.memref_slice %arg4[%dma_wait3A_286, %dma_wait3A_287] : memref<2560x128xi32, #tpu.memory_space<hbm>> -> memref<8x128xi32, #tpu.memory_space<hbm>>
      %dma_wait3A_289 = arith.constant 0 : i32
      %dma_wait3A_290 = arith.constant 0 : i32
      %dma_wait3A_291 = tpu.memref_slice %arg8[%dma_wait3A_281, %dma_wait3A_289, %dma_wait3A_290] : memref<2x8x128xi32, #tpu.memory_space<vmem>> -> memref<1x8x128xi32, #tpu.memory_space<vmem>>
      %dma_wait3A_292 = tpu.memref_squeeze %dma_wait3A_291 : memref<1x8x128xi32, #tpu.memory_space<vmem>> -> memref<8x128xi32, #tpu.memory_space<vmem>>
      %dma_wait3A_293 = arith.constant 0 : i32
      %dma_wait3A_294 = arith.constant 0 : i32
      %dma_wait3A_295 = tpu.memref_slice %arg4[%dma_wait3A_293, %dma_wait3A_294] : memref<2560x128xi32, #tpu.memory_space<hbm>> -> memref<8x128xi32, #tpu.memory_space<hbm>>
      tpu.wait_dma2 semaphore(%arg15 : memref<!tpu.dma_semaphore, #tpu.memory_space<semaphore_mem>>) src(%dma_wait3A_295 : memref<8x128xi32, #tpu.memory_space<hbm>>) dst(%dma_wait3A_292 : memref<8x128xi32, #tpu.memory_space<vmem>>)
      %dma_start3A_296 = arith.constant 0 : i32
      %dma_start3A_297 = arith.constant 7 : i32
      %dma_start3A_298 = arith.constant 0 : i32
      %dma_start3A_299 = tpu.memref_slice %arg7[%dma_start3A_296, %dma_start3A_297, %dma_start3A_298] : memref<2x8x128xi32, #tpu.memory_space<vmem>> -> memref<1x1x128xi32, #tpu.memory_space<vmem>>
      %dma_start3A_300 = tpu.memref_squeeze %dma_start3A_299 : memref<1x1x128xi32, #tpu.memory_space<vmem>> -> memref<128xi32, #tpu.memory_space<vmem>>
      %dma_start3A_301 = arith.constant 0 : i32
      %dma_start3A_302 = arith.constant 0 : i32
      %dma_start3A_303 = tpu.memref_slice %arg2[%dma_start3A_301, %dma_start3A_302] : memref<10240x128xf32, #tpu.memory_space<hbm>> -> memref<10240x128xf32, #tpu.memory_space<hbm>>
      tpu.enqueue_indirect_dma source(%dma_start3A_303 : memref<10240x128xf32, #tpu.memory_space<hbm>>) target(%arg10 : memref<128x128xf32, #tpu.memory_space<vmem>>) offsets(%dma_start3A_300 : memref<128xi32, #tpu.memory_space<vmem>>) semaphore(%arg13 : memref<!tpu.dma_semaphore, #tpu.memory_space<semaphore_mem>>)
      %dma_wait3A_304 = arith.constant 0 : i32
      %dma_wait3A_305 = arith.constant 0 : i32
      %dma_wait3A_306 = arith.constant 0 : i32
      %dma_wait3A_307 = tpu.memref_slice %arg7[%dma_wait3A_304, %dma_wait3A_305, %dma_wait3A_306] : memref<2x8x128xi32, #tpu.memory_space<vmem>> -> memref<1x1x128xi32, #tpu.memory_space<vmem>>
      %dma_wait3A_308 = tpu.memref_squeeze %dma_wait3A_307 : memref<1x1x128xi32, #tpu.memory_space<vmem>> -> memref<128xi32, #tpu.memory_space<vmem>>
      %dma_wait3A_309 = arith.constant 0 : i32
      %dma_wait3A_310 = arith.constant 0 : i32
      %dma_wait3A_311 = tpu.memref_slice %arg2[%dma_wait3A_309, %dma_wait3A_310] : memref<10240x128xf32, #tpu.memory_space<hbm>> -> memref<10240x128xf32, #tpu.memory_space<hbm>>
      tpu.wait_indirect_dma semaphore(%arg12 : memref<!tpu.dma_semaphore, #tpu.memory_space<semaphore_mem>>) src(%dma_wait3A_311 : memref<10240x128xf32, #tpu.memory_space<hbm>>) dst(%arg9 : memref<128x128xf32, #tpu.memory_space<vmem>>)
      %run_scoped3A_312 = arith.constant 0 : i32
      %run_scoped3A_313 = arith.constant 6 : i32
      "tpu.region"() ({
        %run_scoped3A_589 = tpu.sem_alloc : memref<!tpu.dma_semaphore, #tpu.memory_space<semaphore_mem>>
        %dma_start3A_590 = arith.constant 0 : i32
        %dma_start3A_591 = tpu.memref_slice %arg8[%run_scoped3A_312, %run_scoped3A_313, %dma_start3A_590] : memref<2x8x128xi32, #tpu.memory_space<vmem>> -> memref<1x1x128xi32, #tpu.memory_space<vmem>>
        %dma_start3A_592 = tpu.memref_squeeze %dma_start3A_591 : memref<1x1x128xi32, #tpu.memory_space<vmem>> -> memref<128xi32, #tpu.memory_space<vmem>>
        %dma_start3A_593 = arith.constant 0 : i32
        %dma_start3A_594 = arith.constant 0 : i32
        %dma_start3A_595 = tpu.memref_slice %arg11[%dma_start3A_593, %dma_start3A_594] : memref<10240x128xf32, #tpu.memory_space<vmem_shared>> -> memref<10240x128xf32, #tpu.memory_space<vmem_shared>>
        tpu.enqueue_indirect_dma source(%arg9 : memref<128x128xf32, #tpu.memory_space<vmem>>) target(%dma_start3A_595 : memref<10240x128xf32, #tpu.memory_space<vmem_shared>>) offsets(%dma_start3A_592 : memref<128xi32, #tpu.memory_space<vmem>>) semaphore(%run_scoped3A_589 : memref<!tpu.dma_semaphore, #tpu.memory_space<semaphore_mem>>) {add = true}
        %dma_wait3A_596 = arith.constant 0 : i32
        %dma_wait3A_597 = tpu.memref_slice %arg8[%run_scoped3A_312, %run_scoped3A_313, %dma_wait3A_596] : memref<2x8x128xi32, #tpu.memory_space<vmem>> -> memref<1x1x128xi32, #tpu.memory_space<vmem>>
        %dma_wait3A_598 = tpu.memref_squeeze %dma_wait3A_597 : memref<1x1x128xi32, #tpu.memory_space<vmem>> -> memref<128xi32, #tpu.memory_space<vmem>>
        %dma_wait3A_599 = arith.constant 0 : i32
        %dma_wait3A_600 = arith.constant 0 : i32
        %dma_wait3A_601 = tpu.memref_slice %arg11[%dma_wait3A_599, %dma_wait3A_600] : memref<10240x128xf32, #tpu.memory_space<vmem_shared>> -> memref<10240x128xf32, #tpu.memory_space<vmem_shared>>
        tpu.wait_indirect_dma semaphore(%run_scoped3A_589 : memref<!tpu.dma_semaphore, #tpu.memory_space<semaphore_mem>>) src(%arg9 : memref<128x128xf32, #tpu.memory_space<vmem>>) dst(%dma_wait3A_601 : memref<10240x128xf32, #tpu.memory_space<vmem_shared>>)
        tpu.yield
      }) : () -> ()
      %dma_start3A_314 = arith.constant 1 : i32
      %dma_start3A_315 = arith.constant 0 : i32
      %dma_start3A_316 = arith.constant 0 : i32
      %dma_start3A_317 = tpu.memref_slice %arg7[%dma_start3A_314, %dma_start3A_315, %dma_start3A_316] : memref<2x8x128xi32, #tpu.memory_space<vmem>> -> memref<1x1x128xi32, #tpu.memory_space<vmem>>
      %dma_start3A_318 = tpu.memref_squeeze %dma_start3A_317 : memref<1x1x128xi32, #tpu.memory_space<vmem>> -> memref<128xi32, #tpu.memory_space<vmem>>
      %dma_start3A_319 = arith.constant 0 : i32
      %dma_start3A_320 = arith.constant 0 : i32
      %dma_start3A_321 = tpu.memref_slice %arg2[%dma_start3A_319, %dma_start3A_320] : memref<10240x128xf32, #tpu.memory_space<hbm>> -> memref<10240x128xf32, #tpu.memory_space<hbm>>
      tpu.enqueue_indirect_dma source(%dma_start3A_321 : memref<10240x128xf32, #tpu.memory_space<hbm>>) target(%arg9 : memref<128x128xf32, #tpu.memory_space<vmem>>) offsets(%dma_start3A_318 : memref<128xi32, #tpu.memory_space<vmem>>) semaphore(%arg12 : memref<!tpu.dma_semaphore, #tpu.memory_space<semaphore_mem>>)
      %dma_wait3A_322 = arith.constant 0 : i32
      %dma_wait3A_323 = arith.constant 0 : i32
      %dma_wait3A_324 = arith.constant 0 : i32
      %dma_wait3A_325 = tpu.memref_slice %arg7[%dma_wait3A_322, %dma_wait3A_323, %dma_wait3A_324] : memref<2x8x128xi32, #tpu.memory_space<vmem>> -> memref<1x1x128xi32, #tpu.memory_space<vmem>>
      %dma_wait3A_326 = tpu.memref_squeeze %dma_wait3A_325 : memref<1x1x128xi32, #tpu.memory_space<vmem>> -> memref<128xi32, #tpu.memory_space<vmem>>
      %dma_wait3A_327 = arith.constant 0 : i32
      %dma_wait3A_328 = arith.constant 0 : i32
      %dma_wait3A_329 = tpu.memref_slice %arg2[%dma_wait3A_327, %dma_wait3A_328] : memref<10240x128xf32, #tpu.memory_space<hbm>> -> memref<10240x128xf32, #tpu.memory_space<hbm>>
      tpu.wait_indirect_dma semaphore(%arg13 : memref<!tpu.dma_semaphore, #tpu.memory_space<semaphore_mem>>) src(%dma_wait3A_329 : memref<10240x128xf32, #tpu.memory_space<hbm>>) dst(%arg10 : memref<128x128xf32, #tpu.memory_space<vmem>>)
      %run_scoped3A_330 = arith.constant 0 : i32
      %run_scoped3A_331 = arith.constant 7 : i32
      "tpu.region"() ({
        %run_scoped3A_589 = tpu.sem_alloc : memref<!tpu.dma_semaphore, #tpu.memory_space<semaphore_mem>>
        %dma_start3A_590 = arith.constant 0 : i32
        %dma_start3A_591 = tpu.memref_slice %arg8[%run_scoped3A_330, %run_scoped3A_331, %dma_start3A_590] : memref<2x8x128xi32, #tpu.memory_space<vmem>> -> memref<1x1x128xi32, #tpu.memory_space<vmem>>
        %dma_start3A_592 = tpu.memref_squeeze %dma_start3A_591 : memref<1x1x128xi32, #tpu.memory_space<vmem>> -> memref<128xi32, #tpu.memory_space<vmem>>
        %dma_start3A_593 = arith.constant 0 : i32
        %dma_start3A_594 = arith.constant 0 : i32
        %dma_start3A_595 = tpu.memref_slice %arg11[%dma_start3A_593, %dma_start3A_594] : memref<10240x128xf32, #tpu.memory_space<vmem_shared>> -> memref<10240x128xf32, #tpu.memory_space<vmem_shared>>
        tpu.enqueue_indirect_dma source(%arg10 : memref<128x128xf32, #tpu.memory_space<vmem>>) target(%dma_start3A_595 : memref<10240x128xf32, #tpu.memory_space<vmem_shared>>) offsets(%dma_start3A_592 : memref<128xi32, #tpu.memory_space<vmem>>) semaphore(%run_scoped3A_589 : memref<!tpu.dma_semaphore, #tpu.memory_space<semaphore_mem>>) {add = true}
        %dma_wait3A_596 = arith.constant 0 : i32
        %dma_wait3A_597 = tpu.memref_slice %arg8[%run_scoped3A_330, %run_scoped3A_331, %dma_wait3A_596] : memref<2x8x128xi32, #tpu.memory_space<vmem>> -> memref<1x1x128xi32, #tpu.memory_space<vmem>>
        %dma_wait3A_598 = tpu.memref_squeeze %dma_wait3A_597 : memref<1x1x128xi32, #tpu.memory_space<vmem>> -> memref<128xi32, #tpu.memory_space<vmem>>
        %dma_wait3A_599 = arith.constant 0 : i32
        %dma_wait3A_600 = arith.constant 0 : i32
        %dma_wait3A_601 = tpu.memref_slice %arg11[%dma_wait3A_599, %dma_wait3A_600] : memref<10240x128xf32, #tpu.memory_space<vmem_shared>> -> memref<10240x128xf32, #tpu.memory_space<vmem_shared>>
        tpu.wait_indirect_dma semaphore(%run_scoped3A_589 : memref<!tpu.dma_semaphore, #tpu.memory_space<semaphore_mem>>) src(%arg10 : memref<128x128xf32, #tpu.memory_space<vmem>>) dst(%dma_wait3A_601 : memref<10240x128xf32, #tpu.memory_space<vmem_shared>>)
        tpu.yield
      }) : () -> ()
      %dma_start3A_332 = arith.constant 1 : i32
      %dma_start3A_333 = arith.constant 1 : i32
      %dma_start3A_334 = arith.constant 0 : i32
      %dma_start3A_335 = tpu.memref_slice %arg7[%dma_start3A_332, %dma_start3A_333, %dma_start3A_334] : memref<2x8x128xi32, #tpu.memory_space<vmem>> -> memref<1x1x128xi32, #tpu.memory_space<vmem>>
      %dma_start3A_336 = tpu.memref_squeeze %dma_start3A_335 : memref<1x1x128xi32, #tpu.memory_space<vmem>> -> memref<128xi32, #tpu.memory_space<vmem>>
      %dma_start3A_337 = arith.constant 0 : i32
      %dma_start3A_338 = arith.constant 0 : i32
      %dma_start3A_339 = tpu.memref_slice %arg2[%dma_start3A_337, %dma_start3A_338] : memref<10240x128xf32, #tpu.memory_space<hbm>> -> memref<10240x128xf32, #tpu.memory_space<hbm>>
      tpu.enqueue_indirect_dma source(%dma_start3A_339 : memref<10240x128xf32, #tpu.memory_space<hbm>>) target(%arg10 : memref<128x128xf32, #tpu.memory_space<vmem>>) offsets(%dma_start3A_336 : memref<128xi32, #tpu.memory_space<vmem>>) semaphore(%arg13 : memref<!tpu.dma_semaphore, #tpu.memory_space<semaphore_mem>>)
      %add3A_340 = arith.constant 2 : i32
      %add3A_341 = arith.addi %add3A_166, %add3A_340 : i32
      %min3A = arith.constant 19 : i32
      %min3A_342 = arith.minsi %add3A_341, %min3A : i32
      %mul3A_343 = arith.constant 8 : i32
      %mul3A_344 = arith.muli %min3A_342, %mul3A_343 : i32
      %add3A_345 = arith.addi %mul3A_0, %mul3A_344 : i32
      %dma_start3A_346 = arith.constant 0 : i32
      %dma_start3A_347 = arith.constant 0 : i32
      %dma_start3A_348 = arith.constant 0 : i32
      %dma_start3A_349 = tpu.memref_slice %arg7[%dma_start3A_346, %dma_start3A_347, %dma_start3A_348] : memref<2x8x128xi32, #tpu.memory_space<vmem>> -> memref<1x8x128xi32, #tpu.memory_space<vmem>>
      %dma_start3A_350 = tpu.memref_squeeze %dma_start3A_349 : memref<1x8x128xi32, #tpu.memory_space<vmem>> -> memref<8x128xi32, #tpu.memory_space<vmem>>
      %dma_start3A_351 = arith.constant 0 : i32
      %dma_start3A_352 = tpu.memref_slice %arg3[%add3A_345, %dma_start3A_351] : memref<2560x128xi32, #tpu.memory_space<hbm>> -> memref<8x128xi32, #tpu.memory_space<hbm>>
      %dma_start3A_353 = arith.constant 0 : i32
      %dma_start3A_354 = arith.constant 0 : i32
      %dma_start3A_355 = tpu.memref_slice %arg7[%dma_start3A_346, %dma_start3A_353, %dma_start3A_354] : memref<2x8x128xi32, #tpu.memory_space<vmem>> -> memref<1x8x128xi32, #tpu.memory_space<vmem>>
      %dma_start3A_356 = tpu.memref_squeeze %dma_start3A_355 : memref<1x8x128xi32, #tpu.memory_space<vmem>> -> memref<8x128xi32, #tpu.memory_space<vmem>>
      %dma_start3A_357 = arith.constant 0 : i32
      %dma_start3A_358 = tpu.memref_slice %arg3[%add3A_345, %dma_start3A_357] : memref<2560x128xi32, #tpu.memory_space<hbm>> -> memref<8x128xi32, #tpu.memory_space<hbm>>
      tpu.enqueue_dma source(%dma_start3A_358 : memref<8x128xi32, #tpu.memory_space<hbm>>) target(%dma_start3A_356 : memref<8x128xi32, #tpu.memory_space<vmem>>) target_semaphore(%arg14 : memref<!tpu.dma_semaphore, #tpu.memory_space<semaphore_mem>>)
      %mul3A_359 = arith.constant 8 : i32
      %mul3A_360 = arith.muli %min3A_342, %mul3A_359 : i32
      %add3A_361 = arith.addi %mul3A_0, %mul3A_360 : i32
      %dma_start3A_362 = arith.constant 0 : i32
      %dma_start3A_363 = arith.constant 0 : i32
      %dma_start3A_364 = arith.constant 0 : i32
      %dma_start3A_365 = tpu.memref_slice %arg8[%dma_start3A_362, %dma_start3A_363, %dma_start3A_364] : memref<2x8x128xi32, #tpu.memory_space<vmem>> -> memref<1x8x128xi32, #tpu.memory_space<vmem>>
      %dma_start3A_366 = tpu.memref_squeeze %dma_start3A_365 : memref<1x8x128xi32, #tpu.memory_space<vmem>> -> memref<8x128xi32, #tpu.memory_space<vmem>>
      %dma_start3A_367 = arith.constant 0 : i32
      %dma_start3A_368 = tpu.memref_slice %arg4[%add3A_361, %dma_start3A_367] : memref<2560x128xi32, #tpu.memory_space<hbm>> -> memref<8x128xi32, #tpu.memory_space<hbm>>
      %dma_start3A_369 = arith.constant 0 : i32
      %dma_start3A_370 = arith.constant 0 : i32
      %dma_start3A_371 = tpu.memref_slice %arg8[%dma_start3A_362, %dma_start3A_369, %dma_start3A_370] : memref<2x8x128xi32, #tpu.memory_space<vmem>> -> memref<1x8x128xi32, #tpu.memory_space<vmem>>
      %dma_start3A_372 = tpu.memref_squeeze %dma_start3A_371 : memref<1x8x128xi32, #tpu.memory_space<vmem>> -> memref<8x128xi32, #tpu.memory_space<vmem>>
      %dma_start3A_373 = arith.constant 0 : i32
      %dma_start3A_374 = tpu.memref_slice %arg4[%add3A_361, %dma_start3A_373] : memref<2560x128xi32, #tpu.memory_space<hbm>> -> memref<8x128xi32, #tpu.memory_space<hbm>>
      tpu.enqueue_dma source(%dma_start3A_374 : memref<8x128xi32, #tpu.memory_space<hbm>>) target(%dma_start3A_372 : memref<8x128xi32, #tpu.memory_space<vmem>>) target_semaphore(%arg14 : memref<!tpu.dma_semaphore, #tpu.memory_space<semaphore_mem>>)
      %mul3A_375 = arith.constant 2 : i32
      %mul3A_376 = arith.muli %scan3A_162, %mul3A_375 : i32
      %add3A_377 = arith.constant 1 : i32
      %add3A_378 = arith.addi %mul3A_376, %add3A_377 : i32
      %dma_wait3A_379 = arith.constant 0 : i32
      %dma_wait3A_380 = arith.constant 0 : i32
      %dma_wait3A_381 = arith.constant 0 : i32
      %dma_wait3A_382 = tpu.memref_slice %arg7[%dma_wait3A_379, %dma_wait3A_380, %dma_wait3A_381] : memref<2x8x128xi32, #tpu.memory_space<vmem>> -> memref<1x1x128xi32, #tpu.memory_space<vmem>>
      %dma_wait3A_383 = tpu.memref_squeeze %dma_wait3A_382 : memref<1x1x128xi32, #tpu.memory_space<vmem>> -> memref<128xi32, #tpu.memory_space<vmem>>
      %dma_wait3A_384 = arith.constant 0 : i32
      %dma_wait3A_385 = arith.constant 0 : i32
      %dma_wait3A_386 = tpu.memref_slice %arg2[%dma_wait3A_384, %dma_wait3A_385] : memref<10240x128xf32, #tpu.memory_space<hbm>> -> memref<10240x128xf32, #tpu.memory_space<hbm>>
      tpu.wait_indirect_dma semaphore(%arg12 : memref<!tpu.dma_semaphore, #tpu.memory_space<semaphore_mem>>) src(%dma_wait3A_386 : memref<10240x128xf32, #tpu.memory_space<hbm>>) dst(%arg9 : memref<128x128xf32, #tpu.memory_space<vmem>>)
      %run_scoped3A_387 = arith.constant 1 : i32
      %run_scoped3A_388 = arith.constant 0 : i32
      "tpu.region"() ({
        %run_scoped3A_589 = tpu.sem_alloc : memref<!tpu.dma_semaphore, #tpu.memory_space<semaphore_mem>>
        %dma_start3A_590 = arith.constant 0 : i32
        %dma_start3A_591 = tpu.memref_slice %arg8[%run_scoped3A_387, %run_scoped3A_388, %dma_start3A_590] : memref<2x8x128xi32, #tpu.memory_space<vmem>> -> memref<1x1x128xi32, #tpu.memory_space<vmem>>
        %dma_start3A_592 = tpu.memref_squeeze %dma_start3A_591 : memref<1x1x128xi32, #tpu.memory_space<vmem>> -> memref<128xi32, #tpu.memory_space<vmem>>
        %dma_start3A_593 = arith.constant 0 : i32
        %dma_start3A_594 = arith.constant 0 : i32
        %dma_start3A_595 = tpu.memref_slice %arg11[%dma_start3A_593, %dma_start3A_594] : memref<10240x128xf32, #tpu.memory_space<vmem_shared>> -> memref<10240x128xf32, #tpu.memory_space<vmem_shared>>
        tpu.enqueue_indirect_dma source(%arg9 : memref<128x128xf32, #tpu.memory_space<vmem>>) target(%dma_start3A_595 : memref<10240x128xf32, #tpu.memory_space<vmem_shared>>) offsets(%dma_start3A_592 : memref<128xi32, #tpu.memory_space<vmem>>) semaphore(%run_scoped3A_589 : memref<!tpu.dma_semaphore, #tpu.memory_space<semaphore_mem>>) {add = true}
        %dma_wait3A_596 = arith.constant 0 : i32
        %dma_wait3A_597 = tpu.memref_slice %arg8[%run_scoped3A_387, %run_scoped3A_388, %dma_wait3A_596] : memref<2x8x128xi32, #tpu.memory_space<vmem>> -> memref<1x1x128xi32, #tpu.memory_space<vmem>>
        %dma_wait3A_598 = tpu.memref_squeeze %dma_wait3A_597 : memref<1x1x128xi32, #tpu.memory_space<vmem>> -> memref<128xi32, #tpu.memory_space<vmem>>
        %dma_wait3A_599 = arith.constant 0 : i32
        %dma_wait3A_600 = arith.constant 0 : i32
        %dma_wait3A_601 = tpu.memref_slice %arg11[%dma_wait3A_599, %dma_wait3A_600] : memref<10240x128xf32, #tpu.memory_space<vmem_shared>> -> memref<10240x128xf32, #tpu.memory_space<vmem_shared>>
        tpu.wait_indirect_dma semaphore(%run_scoped3A_589 : memref<!tpu.dma_semaphore, #tpu.memory_space<semaphore_mem>>) src(%arg9 : memref<128x128xf32, #tpu.memory_space<vmem>>) dst(%dma_wait3A_601 : memref<10240x128xf32, #tpu.memory_space<vmem_shared>>)
        tpu.yield
      }) : () -> ()
      %dma_start3A_389 = arith.constant 1 : i32
      %dma_start3A_390 = arith.constant 2 : i32
      %dma_start3A_391 = arith.constant 0 : i32
      %dma_start3A_392 = tpu.memref_slice %arg7[%dma_start3A_389, %dma_start3A_390, %dma_start3A_391] : memref<2x8x128xi32, #tpu.memory_space<vmem>> -> memref<1x1x128xi32, #tpu.memory_space<vmem>>
      %dma_start3A_393 = tpu.memref_squeeze %dma_start3A_392 : memref<1x1x128xi32, #tpu.memory_space<vmem>> -> memref<128xi32, #tpu.memory_space<vmem>>
      %dma_start3A_394 = arith.constant 0 : i32
      %dma_start3A_395 = arith.constant 0 : i32
      %dma_start3A_396 = tpu.memref_slice %arg2[%dma_start3A_394, %dma_start3A_395] : memref<10240x128xf32, #tpu.memory_space<hbm>> -> memref<10240x128xf32, #tpu.memory_space<hbm>>
      tpu.enqueue_indirect_dma source(%dma_start3A_396 : memref<10240x128xf32, #tpu.memory_space<hbm>>) target(%arg9 : memref<128x128xf32, #tpu.memory_space<vmem>>) offsets(%dma_start3A_393 : memref<128xi32, #tpu.memory_space<vmem>>) semaphore(%arg12 : memref<!tpu.dma_semaphore, #tpu.memory_space<semaphore_mem>>)
      %dma_wait3A_397 = arith.constant 0 : i32
      %dma_wait3A_398 = arith.constant 0 : i32
      %dma_wait3A_399 = arith.constant 0 : i32
      %dma_wait3A_400 = tpu.memref_slice %arg7[%dma_wait3A_397, %dma_wait3A_398, %dma_wait3A_399] : memref<2x8x128xi32, #tpu.memory_space<vmem>> -> memref<1x1x128xi32, #tpu.memory_space<vmem>>
      %dma_wait3A_401 = tpu.memref_squeeze %dma_wait3A_400 : memref<1x1x128xi32, #tpu.memory_space<vmem>> -> memref<128xi32, #tpu.memory_space<vmem>>
      %dma_wait3A_402 = arith.constant 0 : i32
      %dma_wait3A_403 = arith.constant 0 : i32
      %dma_wait3A_404 = tpu.memref_slice %arg2[%dma_wait3A_402, %dma_wait3A_403] : memref<10240x128xf32, #tpu.memory_space<hbm>> -> memref<10240x128xf32, #tpu.memory_space<hbm>>
      tpu.wait_indirect_dma semaphore(%arg13 : memref<!tpu.dma_semaphore, #tpu.memory_space<semaphore_mem>>) src(%dma_wait3A_404 : memref<10240x128xf32, #tpu.memory_space<hbm>>) dst(%arg10 : memref<128x128xf32, #tpu.memory_space<vmem>>)
      %run_scoped3A_405 = arith.constant 1 : i32
      %run_scoped3A_406 = arith.constant 1 : i32
      "tpu.region"() ({
        %run_scoped3A_589 = tpu.sem_alloc : memref<!tpu.dma_semaphore, #tpu.memory_space<semaphore_mem>>
        %dma_start3A_590 = arith.constant 0 : i32
        %dma_start3A_591 = tpu.memref_slice %arg8[%run_scoped3A_405, %run_scoped3A_406, %dma_start3A_590] : memref<2x8x128xi32, #tpu.memory_space<vmem>> -> memref<1x1x128xi32, #tpu.memory_space<vmem>>
        %dma_start3A_592 = tpu.memref_squeeze %dma_start3A_591 : memref<1x1x128xi32, #tpu.memory_space<vmem>> -> memref<128xi32, #tpu.memory_space<vmem>>
        %dma_start3A_593 = arith.constant 0 : i32
        %dma_start3A_594 = arith.constant 0 : i32
        %dma_start3A_595 = tpu.memref_slice %arg11[%dma_start3A_593, %dma_start3A_594] : memref<10240x128xf32, #tpu.memory_space<vmem_shared>> -> memref<10240x128xf32, #tpu.memory_space<vmem_shared>>
        tpu.enqueue_indirect_dma source(%arg10 : memref<128x128xf32, #tpu.memory_space<vmem>>) target(%dma_start3A_595 : memref<10240x128xf32, #tpu.memory_space<vmem_shared>>) offsets(%dma_start3A_592 : memref<128xi32, #tpu.memory_space<vmem>>) semaphore(%run_scoped3A_589 : memref<!tpu.dma_semaphore, #tpu.memory_space<semaphore_mem>>) {add = true}
        %dma_wait3A_596 = arith.constant 0 : i32
        %dma_wait3A_597 = tpu.memref_slice %arg8[%run_scoped3A_405, %run_scoped3A_406, %dma_wait3A_596] : memref<2x8x128xi32, #tpu.memory_space<vmem>> -> memref<1x1x128xi32, #tpu.memory_space<vmem>>
        %dma_wait3A_598 = tpu.memref_squeeze %dma_wait3A_597 : memref<1x1x128xi32, #tpu.memory_space<vmem>> -> memref<128xi32, #tpu.memory_space<vmem>>
        %dma_wait3A_599 = arith.constant 0 : i32
        %dma_wait3A_600 = arith.constant 0 : i32
        %dma_wait3A_601 = tpu.memref_slice %arg11[%dma_wait3A_599, %dma_wait3A_600] : memref<10240x128xf32, #tpu.memory_space<vmem_shared>> -> memref<10240x128xf32, #tpu.memory_space<vmem_shared>>
        tpu.wait_indirect_dma semaphore(%run_scoped3A_589 : memref<!tpu.dma_semaphore, #tpu.memory_space<semaphore_mem>>) src(%arg10 : memref<128x128xf32, #tpu.memory_space<vmem>>) dst(%dma_wait3A_601 : memref<10240x128xf32, #tpu.memory_space<vmem_shared>>)
        tpu.yield
      }) : () -> ()
      %dma_start3A_407 = arith.constant 1 : i32
      %dma_start3A_408 = arith.constant 3 : i32
      %dma_start3A_409 = arith.constant 0 : i32
      %dma_start3A_410 = tpu.memref_slice %arg7[%dma_start3A_407, %dma_start3A_408, %dma_start3A_409] : memref<2x8x128xi32, #tpu.memory_space<vmem>> -> memref<1x1x128xi32, #tpu.memory_space<vmem>>
      %dma_start3A_411 = tpu.memref_squeeze %dma_start3A_410 : memref<1x1x128xi32, #tpu.memory_space<vmem>> -> memref<128xi32, #tpu.memory_space<vmem>>
      %dma_start3A_412 = arith.constant 0 : i32
      %dma_start3A_413 = arith.constant 0 : i32
      %dma_start3A_414 = tpu.memref_slice %arg2[%dma_start3A_412, %dma_start3A_413] : memref<10240x128xf32, #tpu.memory_space<hbm>> -> memref<10240x128xf32, #tpu.memory_space<hbm>>
      tpu.enqueue_indirect_dma source(%dma_start3A_414 : memref<10240x128xf32, #tpu.memory_space<hbm>>) target(%arg10 : memref<128x128xf32, #tpu.memory_space<vmem>>) offsets(%dma_start3A_411 : memref<128xi32, #tpu.memory_space<vmem>>) semaphore(%arg13 : memref<!tpu.dma_semaphore, #tpu.memory_space<semaphore_mem>>)
      %dma_wait3A_415 = arith.constant 0 : i32
      %dma_wait3A_416 = arith.constant 0 : i32
      %dma_wait3A_417 = arith.constant 0 : i32
      %dma_wait3A_418 = tpu.memref_slice %arg7[%dma_wait3A_415, %dma_wait3A_416, %dma_wait3A_417] : memref<2x8x128xi32, #tpu.memory_space<vmem>> -> memref<1x1x128xi32, #tpu.memory_space<vmem>>
      %dma_wait3A_419 = tpu.memref_squeeze %dma_wait3A_418 : memref<1x1x128xi32, #tpu.memory_space<vmem>> -> memref<128xi32, #tpu.memory_space<vmem>>
      %dma_wait3A_420 = arith.constant 0 : i32
      %dma_wait3A_421 = arith.constant 0 : i32
      %dma_wait3A_422 = tpu.memref_slice %arg2[%dma_wait3A_420, %dma_wait3A_421] : memref<10240x128xf32, #tpu.memory_space<hbm>> -> memref<10240x128xf32, #tpu.memory_space<hbm>>
      tpu.wait_indirect_dma semaphore(%arg12 : memref<!tpu.dma_semaphore, #tpu.memory_space<semaphore_mem>>) src(%dma_wait3A_422 : memref<10240x128xf32, #tpu.memory_space<hbm>>) dst(%arg9 : memref<128x128xf32, #tpu.memory_space<vmem>>)
      %run_scoped3A_423 = arith.constant 1 : i32
      %run_scoped3A_424 = arith.constant 2 : i32
      "tpu.region"() ({
        %run_scoped3A_589 = tpu.sem_alloc : memref<!tpu.dma_semaphore, #tpu.memory_space<semaphore_mem>>
        %dma_start3A_590 = arith.constant 0 : i32
        %dma_start3A_591 = tpu.memref_slice %arg8[%run_scoped3A_423, %run_scoped3A_424, %dma_start3A_590] : memref<2x8x128xi32, #tpu.memory_space<vmem>> -> memref<1x1x128xi32, #tpu.memory_space<vmem>>
        %dma_start3A_592 = tpu.memref_squeeze %dma_start3A_591 : memref<1x1x128xi32, #tpu.memory_space<vmem>> -> memref<128xi32, #tpu.memory_space<vmem>>
        %dma_start3A_593 = arith.constant 0 : i32
        %dma_start3A_594 = arith.constant 0 : i32
        %dma_start3A_595 = tpu.memref_slice %arg11[%dma_start3A_593, %dma_start3A_594] : memref<10240x128xf32, #tpu.memory_space<vmem_shared>> -> memref<10240x128xf32, #tpu.memory_space<vmem_shared>>
        tpu.enqueue_indirect_dma source(%arg9 : memref<128x128xf32, #tpu.memory_space<vmem>>) target(%dma_start3A_595 : memref<10240x128xf32, #tpu.memory_space<vmem_shared>>) offsets(%dma_start3A_592 : memref<128xi32, #tpu.memory_space<vmem>>) semaphore(%run_scoped3A_589 : memref<!tpu.dma_semaphore, #tpu.memory_space<semaphore_mem>>) {add = true}
        %dma_wait3A_596 = arith.constant 0 : i32
        %dma_wait3A_597 = tpu.memref_slice %arg8[%run_scoped3A_423, %run_scoped3A_424, %dma_wait3A_596] : memref<2x8x128xi32, #tpu.memory_space<vmem>> -> memref<1x1x128xi32, #tpu.memory_space<vmem>>
        %dma_wait3A_598 = tpu.memref_squeeze %dma_wait3A_597 : memref<1x1x128xi32, #tpu.memory_space<vmem>> -> memref<128xi32, #tpu.memory_space<vmem>>
        %dma_wait3A_599 = arith.constant 0 : i32
        %dma_wait3A_600 = arith.constant 0 : i32
        %dma_wait3A_601 = tpu.memref_slice %arg11[%dma_wait3A_599, %dma_wait3A_600] : memref<10240x128xf32, #tpu.memory_space<vmem_shared>> -> memref<10240x128xf32, #tpu.memory_space<vmem_shared>>
        tpu.wait_indirect_dma semaphore(%run_scoped3A_589 : memref<!tpu.dma_semaphore, #tpu.memory_space<semaphore_mem>>) src(%arg9 : memref<128x128xf32, #tpu.memory_space<vmem>>) dst(%dma_wait3A_601 : memref<10240x128xf32, #tpu.memory_space<vmem_shared>>)
        tpu.yield
      }) : () -> ()
      %dma_start3A_425 = arith.constant 1 : i32
      %dma_start3A_426 = arith.constant 4 : i32
      %dma_start3A_427 = arith.constant 0 : i32
      %dma_start3A_428 = tpu.memref_slice %arg7[%dma_start3A_425, %dma_start3A_426, %dma_start3A_427] : memref<2x8x128xi32, #tpu.memory_space<vmem>> -> memref<1x1x128xi32, #tpu.memory_space<vmem>>
      %dma_start3A_429 = tpu.memref_squeeze %dma_start3A_428 : memref<1x1x128xi32, #tpu.memory_space<vmem>> -> memref<128xi32, #tpu.memory_space<vmem>>
      %dma_start3A_430 = arith.constant 0 : i32
      %dma_start3A_431 = arith.constant 0 : i32
      %dma_start3A_432 = tpu.memref_slice %arg2[%dma_start3A_430, %dma_start3A_431] : memref<10240x128xf32, #tpu.memory_space<hbm>> -> memref<10240x128xf32, #tpu.memory_space<hbm>>
      tpu.enqueue_indirect_dma source(%dma_start3A_432 : memref<10240x128xf32, #tpu.memory_space<hbm>>) target(%arg9 : memref<128x128xf32, #tpu.memory_space<vmem>>) offsets(%dma_start3A_429 : memref<128xi32, #tpu.memory_space<vmem>>) semaphore(%arg12 : memref<!tpu.dma_semaphore, #tpu.memory_space<semaphore_mem>>)
      %dma_wait3A_433 = arith.constant 0 : i32
      %dma_wait3A_434 = arith.constant 0 : i32
      %dma_wait3A_435 = arith.constant 0 : i32
      %dma_wait3A_436 = tpu.memref_slice %arg7[%dma_wait3A_433, %dma_wait3A_434, %dma_wait3A_435] : memref<2x8x128xi32, #tpu.memory_space<vmem>> -> memref<1x1x128xi32, #tpu.memory_space<vmem>>
      %dma_wait3A_437 = tpu.memref_squeeze %dma_wait3A_436 : memref<1x1x128xi32, #tpu.memory_space<vmem>> -> memref<128xi32, #tpu.memory_space<vmem>>
      %dma_wait3A_438 = arith.constant 0 : i32
      %dma_wait3A_439 = arith.constant 0 : i32
      %dma_wait3A_440 = tpu.memref_slice %arg2[%dma_wait3A_438, %dma_wait3A_439] : memref<10240x128xf32, #tpu.memory_space<hbm>> -> memref<10240x128xf32, #tpu.memory_space<hbm>>
      tpu.wait_indirect_dma semaphore(%arg13 : memref<!tpu.dma_semaphore, #tpu.memory_space<semaphore_mem>>) src(%dma_wait3A_440 : memref<10240x128xf32, #tpu.memory_space<hbm>>) dst(%arg10 : memref<128x128xf32, #tpu.memory_space<vmem>>)
      %run_scoped3A_441 = arith.constant 1 : i32
      %run_scoped3A_442 = arith.constant 3 : i32
      "tpu.region"() ({
        %run_scoped3A_589 = tpu.sem_alloc : memref<!tpu.dma_semaphore, #tpu.memory_space<semaphore_mem>>
        %dma_start3A_590 = arith.constant 0 : i32
        %dma_start3A_591 = tpu.memref_slice %arg8[%run_scoped3A_441, %run_scoped3A_442, %dma_start3A_590] : memref<2x8x128xi32, #tpu.memory_space<vmem>> -> memref<1x1x128xi32, #tpu.memory_space<vmem>>
        %dma_start3A_592 = tpu.memref_squeeze %dma_start3A_591 : memref<1x1x128xi32, #tpu.memory_space<vmem>> -> memref<128xi32, #tpu.memory_space<vmem>>
        %dma_start3A_593 = arith.constant 0 : i32
        %dma_start3A_594 = arith.constant 0 : i32
        %dma_start3A_595 = tpu.memref_slice %arg11[%dma_start3A_593, %dma_start3A_594] : memref<10240x128xf32, #tpu.memory_space<vmem_shared>> -> memref<10240x128xf32, #tpu.memory_space<vmem_shared>>
        tpu.enqueue_indirect_dma source(%arg10 : memref<128x128xf32, #tpu.memory_space<vmem>>) target(%dma_start3A_595 : memref<10240x128xf32, #tpu.memory_space<vmem_shared>>) offsets(%dma_start3A_592 : memref<128xi32, #tpu.memory_space<vmem>>) semaphore(%run_scoped3A_589 : memref<!tpu.dma_semaphore, #tpu.memory_space<semaphore_mem>>) {add = true}
        %dma_wait3A_596 = arith.constant 0 : i32
        %dma_wait3A_597 = tpu.memref_slice %arg8[%run_scoped3A_441, %run_scoped3A_442, %dma_wait3A_596] : memref<2x8x128xi32, #tpu.memory_space<vmem>> -> memref<1x1x128xi32, #tpu.memory_space<vmem>>
        %dma_wait3A_598 = tpu.memref_squeeze %dma_wait3A_597 : memref<1x1x128xi32, #tpu.memory_space<vmem>> -> memref<128xi32, #tpu.memory_space<vmem>>
        %dma_wait3A_599 = arith.constant 0 : i32
        %dma_wait3A_600 = arith.constant 0 : i32
        %dma_wait3A_601 = tpu.memref_slice %arg11[%dma_wait3A_599, %dma_wait3A_600] : memref<10240x128xf32, #tpu.memory_space<vmem_shared>> -> memref<10240x128xf32, #tpu.memory_space<vmem_shared>>
        tpu.wait_indirect_dma semaphore(%run_scoped3A_589 : memref<!tpu.dma_semaphore, #tpu.memory_space<semaphore_mem>>) src(%arg10 : memref<128x128xf32, #tpu.memory_space<vmem>>) dst(%dma_wait3A_601 : memref<10240x128xf32, #tpu.memory_space<vmem_shared>>)
        tpu.yield
      }) : () -> ()
      %dma_start3A_443 = arith.constant 1 : i32
      %dma_start3A_444 = arith.constant 5 : i32
      %dma_start3A_445 = arith.constant 0 : i32
      %dma_start3A_446 = tpu.memref_slice %arg7[%dma_start3A_443, %dma_start3A_444, %dma_start3A_445] : memref<2x8x128xi32, #tpu.memory_space<vmem>> -> memref<1x1x128xi32, #tpu.memory_space<vmem>>
      %dma_start3A_447 = tpu.memref_squeeze %dma_start3A_446 : memref<1x1x128xi32, #tpu.memory_space<vmem>> -> memref<128xi32, #tpu.memory_space<vmem>>
      %dma_start3A_448 = arith.constant 0 : i32
      %dma_start3A_449 = arith.constant 0 : i32
      %dma_start3A_450 = tpu.memref_slice %arg2[%dma_start3A_448, %dma_start3A_449] : memref<10240x128xf32, #tpu.memory_space<hbm>> -> memref<10240x128xf32, #tpu.memory_space<hbm>>
      tpu.enqueue_indirect_dma source(%dma_start3A_450 : memref<10240x128xf32, #tpu.memory_space<hbm>>) target(%arg10 : memref<128x128xf32, #tpu.memory_space<vmem>>) offsets(%dma_start3A_447 : memref<128xi32, #tpu.memory_space<vmem>>) semaphore(%arg13 : memref<!tpu.dma_semaphore, #tpu.memory_space<semaphore_mem>>)
      %dma_wait3A_451 = arith.constant 0 : i32
      %dma_wait3A_452 = arith.constant 0 : i32
      %dma_wait3A_453 = arith.constant 0 : i32
      %dma_wait3A_454 = tpu.memref_slice %arg7[%dma_wait3A_451, %dma_wait3A_452, %dma_wait3A_453] : memref<2x8x128xi32, #tpu.memory_space<vmem>> -> memref<1x1x128xi32, #tpu.memory_space<vmem>>
      %dma_wait3A_455 = tpu.memref_squeeze %dma_wait3A_454 : memref<1x1x128xi32, #tpu.memory_space<vmem>> -> memref<128xi32, #tpu.memory_space<vmem>>
      %dma_wait3A_456 = arith.constant 0 : i32
      %dma_wait3A_457 = arith.constant 0 : i32
      %dma_wait3A_458 = tpu.memref_slice %arg2[%dma_wait3A_456, %dma_wait3A_457] : memref<10240x128xf32, #tpu.memory_space<hbm>> -> memref<10240x128xf32, #tpu.memory_space<hbm>>
      tpu.wait_indirect_dma semaphore(%arg12 : memref<!tpu.dma_semaphore, #tpu.memory_space<semaphore_mem>>) src(%dma_wait3A_458 : memref<10240x128xf32, #tpu.memory_space<hbm>>) dst(%arg9 : memref<128x128xf32, #tpu.memory_space<vmem>>)
      %run_scoped3A_459 = arith.constant 1 : i32
      %run_scoped3A_460 = arith.constant 4 : i32
      "tpu.region"() ({
        %run_scoped3A_589 = tpu.sem_alloc : memref<!tpu.dma_semaphore, #tpu.memory_space<semaphore_mem>>
        %dma_start3A_590 = arith.constant 0 : i32
        %dma_start3A_591 = tpu.memref_slice %arg8[%run_scoped3A_459, %run_scoped3A_460, %dma_start3A_590] : memref<2x8x128xi32, #tpu.memory_space<vmem>> -> memref<1x1x128xi32, #tpu.memory_space<vmem>>
        %dma_start3A_592 = tpu.memref_squeeze %dma_start3A_591 : memref<1x1x128xi32, #tpu.memory_space<vmem>> -> memref<128xi32, #tpu.memory_space<vmem>>
        %dma_start3A_593 = arith.constant 0 : i32
        %dma_start3A_594 = arith.constant 0 : i32
        %dma_start3A_595 = tpu.memref_slice %arg11[%dma_start3A_593, %dma_start3A_594] : memref<10240x128xf32, #tpu.memory_space<vmem_shared>> -> memref<10240x128xf32, #tpu.memory_space<vmem_shared>>
        tpu.enqueue_indirect_dma source(%arg9 : memref<128x128xf32, #tpu.memory_space<vmem>>) target(%dma_start3A_595 : memref<10240x128xf32, #tpu.memory_space<vmem_shared>>) offsets(%dma_start3A_592 : memref<128xi32, #tpu.memory_space<vmem>>) semaphore(%run_scoped3A_589 : memref<!tpu.dma_semaphore, #tpu.memory_space<semaphore_mem>>) {add = true}
        %dma_wait3A_596 = arith.constant 0 : i32
        %dma_wait3A_597 = tpu.memref_slice %arg8[%run_scoped3A_459, %run_scoped3A_460, %dma_wait3A_596] : memref<2x8x128xi32, #tpu.memory_space<vmem>> -> memref<1x1x128xi32, #tpu.memory_space<vmem>>
        %dma_wait3A_598 = tpu.memref_squeeze %dma_wait3A_597 : memref<1x1x128xi32, #tpu.memory_space<vmem>> -> memref<128xi32, #tpu.memory_space<vmem>>
        %dma_wait3A_599 = arith.constant 0 : i32
        %dma_wait3A_600 = arith.constant 0 : i32
        %dma_wait3A_601 = tpu.memref_slice %arg11[%dma_wait3A_599, %dma_wait3A_600] : memref<10240x128xf32, #tpu.memory_space<vmem_shared>> -> memref<10240x128xf32, #tpu.memory_space<vmem_shared>>
        tpu.wait_indirect_dma semaphore(%run_scoped3A_589 : memref<!tpu.dma_semaphore, #tpu.memory_space<semaphore_mem>>) src(%arg9 : memref<128x128xf32, #tpu.memory_space<vmem>>) dst(%dma_wait3A_601 : memref<10240x128xf32, #tpu.memory_space<vmem_shared>>)
        tpu.yield
      }) : () -> ()
      %dma_start3A_461 = arith.constant 1 : i32
      %dma_start3A_462 = arith.constant 6 : i32
      %dma_start3A_463 = arith.constant 0 : i32
      %dma_start3A_464 = tpu.memref_slice %arg7[%dma_start3A_461, %dma_start3A_462, %dma_start3A_463] : memref<2x8x128xi32, #tpu.memory_space<vmem>> -> memref<1x1x128xi32, #tpu.memory_space<vmem>>
      %dma_start3A_465 = tpu.memref_squeeze %dma_start3A_464 : memref<1x1x128xi32, #tpu.memory_space<vmem>> -> memref<128xi32, #tpu.memory_space<vmem>>
      %dma_start3A_466 = arith.constant 0 : i32
      %dma_start3A_467 = arith.constant 0 : i32
      %dma_start3A_468 = tpu.memref_slice %arg2[%dma_start3A_466, %dma_start3A_467] : memref<10240x128xf32, #tpu.memory_space<hbm>> -> memref<10240x128xf32, #tpu.memory_space<hbm>>
      tpu.enqueue_indirect_dma source(%dma_start3A_468 : memref<10240x128xf32, #tpu.memory_space<hbm>>) target(%arg9 : memref<128x128xf32, #tpu.memory_space<vmem>>) offsets(%dma_start3A_465 : memref<128xi32, #tpu.memory_space<vmem>>) semaphore(%arg12 : memref<!tpu.dma_semaphore, #tpu.memory_space<semaphore_mem>>)
      %dma_wait3A_469 = arith.constant 0 : i32
      %dma_wait3A_470 = arith.constant 0 : i32
      %dma_wait3A_471 = arith.constant 0 : i32
      %dma_wait3A_472 = tpu.memref_slice %arg7[%dma_wait3A_469, %dma_wait3A_470, %dma_wait3A_471] : memref<2x8x128xi32, #tpu.memory_space<vmem>> -> memref<1x1x128xi32, #tpu.memory_space<vmem>>
      %dma_wait3A_473 = tpu.memref_squeeze %dma_wait3A_472 : memref<1x1x128xi32, #tpu.memory_space<vmem>> -> memref<128xi32, #tpu.memory_space<vmem>>
      %dma_wait3A_474 = arith.constant 0 : i32
      %dma_wait3A_475 = arith.constant 0 : i32
      %dma_wait3A_476 = tpu.memref_slice %arg2[%dma_wait3A_474, %dma_wait3A_475] : memref<10240x128xf32, #tpu.memory_space<hbm>> -> memref<10240x128xf32, #tpu.memory_space<hbm>>
      tpu.wait_indirect_dma semaphore(%arg13 : memref<!tpu.dma_semaphore, #tpu.memory_space<semaphore_mem>>) src(%dma_wait3A_476 : memref<10240x128xf32, #tpu.memory_space<hbm>>) dst(%arg10 : memref<128x128xf32, #tpu.memory_space<vmem>>)
      %run_scoped3A_477 = arith.constant 1 : i32
      %run_scoped3A_478 = arith.constant 5 : i32
      "tpu.region"() ({
        %run_scoped3A_589 = tpu.sem_alloc : memref<!tpu.dma_semaphore, #tpu.memory_space<semaphore_mem>>
        %dma_start3A_590 = arith.constant 0 : i32
        %dma_start3A_591 = tpu.memref_slice %arg8[%run_scoped3A_477, %run_scoped3A_478, %dma_start3A_590] : memref<2x8x128xi32, #tpu.memory_space<vmem>> -> memref<1x1x128xi32, #tpu.memory_space<vmem>>
        %dma_start3A_592 = tpu.memref_squeeze %dma_start3A_591 : memref<1x1x128xi32, #tpu.memory_space<vmem>> -> memref<128xi32, #tpu.memory_space<vmem>>
        %dma_start3A_593 = arith.constant 0 : i32
        %dma_start3A_594 = arith.constant 0 : i32
        %dma_start3A_595 = tpu.memref_slice %arg11[%dma_start3A_593, %dma_start3A_594] : memref<10240x128xf32, #tpu.memory_space<vmem_shared>> -> memref<10240x128xf32, #tpu.memory_space<vmem_shared>>
        tpu.enqueue_indirect_dma source(%arg10 : memref<128x128xf32, #tpu.memory_space<vmem>>) target(%dma_start3A_595 : memref<10240x128xf32, #tpu.memory_space<vmem_shared>>) offsets(%dma_start3A_592 : memref<128xi32, #tpu.memory_space<vmem>>) semaphore(%run_scoped3A_589 : memref<!tpu.dma_semaphore, #tpu.memory_space<semaphore_mem>>) {add = true}
        %dma_wait3A_596 = arith.constant 0 : i32
        %dma_wait3A_597 = tpu.memref_slice %arg8[%run_scoped3A_477, %run_scoped3A_478, %dma_wait3A_596] : memref<2x8x128xi32, #tpu.memory_space<vmem>> -> memref<1x1x128xi32, #tpu.memory_space<vmem>>
        %dma_wait3A_598 = tpu.memref_squeeze %dma_wait3A_597 : memref<1x1x128xi32, #tpu.memory_space<vmem>> -> memref<128xi32, #tpu.memory_space<vmem>>
        %dma_wait3A_599 = arith.constant 0 : i32
        %dma_wait3A_600 = arith.constant 0 : i32
        %dma_wait3A_601 = tpu.memref_slice %arg11[%dma_wait3A_599, %dma_wait3A_600] : memref<10240x128xf32, #tpu.memory_space<vmem_shared>> -> memref<10240x128xf32, #tpu.memory_space<vmem_shared>>
        tpu.wait_indirect_dma semaphore(%run_scoped3A_589 : memref<!tpu.dma_semaphore, #tpu.memory_space<semaphore_mem>>) src(%arg10 : memref<128x128xf32, #tpu.memory_space<vmem>>) dst(%dma_wait3A_601 : memref<10240x128xf32, #tpu.memory_space<vmem_shared>>)
        tpu.yield
      }) : () -> ()
      %dma_wait3A_479 = arith.constant 0 : i32
      %dma_wait3A_480 = arith.constant 0 : i32
      %dma_wait3A_481 = arith.constant 0 : i32
      %dma_wait3A_482 = tpu.memref_slice %arg7[%dma_wait3A_479, %dma_wait3A_480, %dma_wait3A_481] : memref<2x8x128xi32, #tpu.memory_space<vmem>> -> memref<1x8x128xi32, #tpu.memory_space<vmem>>
      %dma_wait3A_483 = tpu.memref_squeeze %dma_wait3A_482 : memref<1x8x128xi32, #tpu.memory_space<vmem>> -> memref<8x128xi32, #tpu.memory_space<vmem>>
      %dma_wait3A_484 = arith.constant 0 : i32
      %dma_wait3A_485 = arith.constant 0 : i32
      %dma_wait3A_486 = tpu.memref_slice %arg3[%dma_wait3A_484, %dma_wait3A_485] : memref<2560x128xi32, #tpu.memory_space<hbm>> -> memref<8x128xi32, #tpu.memory_space<hbm>>
      %dma_wait3A_487 = arith.constant 0 : i32
      %dma_wait3A_488 = arith.constant 0 : i32
      %dma_wait3A_489 = tpu.memref_slice %arg7[%dma_wait3A_479, %dma_wait3A_487, %dma_wait3A_488] : memref<2x8x128xi32, #tpu.memory_space<vmem>> -> memref<1x8x128xi32, #tpu.memory_space<vmem>>
      %dma_wait3A_490 = tpu.memref_squeeze %dma_wait3A_489 : memref<1x8x128xi32, #tpu.memory_space<vmem>> -> memref<8x128xi32, #tpu.memory_space<vmem>>
      %dma_wait3A_491 = arith.constant 0 : i32
      %dma_wait3A_492 = arith.constant 0 : i32
      %dma_wait3A_493 = tpu.memref_slice %arg3[%dma_wait3A_491, %dma_wait3A_492] : memref<2560x128xi32, #tpu.memory_space<hbm>> -> memref<8x128xi32, #tpu.memory_space<hbm>>
      tpu.wait_dma2 semaphore(%arg14 : memref<!tpu.dma_semaphore, #tpu.memory_space<semaphore_mem>>) src(%dma_wait3A_493 : memref<8x128xi32, #tpu.memory_space<hbm>>) dst(%dma_wait3A_490 : memref<8x128xi32, #tpu.memory_space<vmem>>)
      %dma_wait3A_494 = arith.constant 0 : i32
      %dma_wait3A_495 = arith.constant 0 : i32
      %dma_wait3A_496 = arith.constant 0 : i32
      %dma_wait3A_497 = tpu.memref_slice %arg8[%dma_wait3A_494, %dma_wait3A_495, %dma_wait3A_496] : memref<2x8x128xi32, #tpu.memory_space<vmem>> -> memref<1x8x128xi32, #tpu.memory_space<vmem>>
      %dma_wait3A_498 = tpu.memref_squeeze %dma_wait3A_497 : memref<1x8x128xi32, #tpu.memory_space<vmem>> -> memref<8x128xi32, #tpu.memory_space<vmem>>
      %dma_wait3A_499 = arith.constant 0 : i32
      %dma_wait3A_500 = arith.constant 0 : i32
      %dma_wait3A_501 = tpu.memref_slice %arg4[%dma_wait3A_499, %dma_wait3A_500] : memref<2560x128xi32, #tpu.memory_space<hbm>> -> memref<8x128xi32, #tpu.memory_space<hbm>>
      %dma_wait3A_502 = arith.constant 0 : i32
      %dma_wait3A_503 = arith.constant 0 : i32
      %dma_wait3A_504 = tpu.memref_slice %arg8[%dma_wait3A_494, %dma_wait3A_502, %dma_wait3A_503] : memref<2x8x128xi32, #tpu.memory_space<vmem>> -> memref<1x8x128xi32, #tpu.memory_space<vmem>>
      %dma_wait3A_505 = tpu.memref_squeeze %dma_wait3A_504 : memref<1x8x128xi32, #tpu.memory_space<vmem>> -> memref<8x128xi32, #tpu.memory_space<vmem>>
      %dma_wait3A_506 = arith.constant 0 : i32
      %dma_wait3A_507 = arith.constant 0 : i32
      %dma_wait3A_508 = tpu.memref_slice %arg4[%dma_wait3A_506, %dma_wait3A_507] : memref<2560x128xi32, #tpu.memory_space<hbm>> -> memref<8x128xi32, #tpu.memory_space<hbm>>
      tpu.wait_dma2 semaphore(%arg14 : memref<!tpu.dma_semaphore, #tpu.memory_space<semaphore_mem>>) src(%dma_wait3A_508 : memref<8x128xi32, #tpu.memory_space<hbm>>) dst(%dma_wait3A_505 : memref<8x128xi32, #tpu.memory_space<vmem>>)
      %dma_start3A_509 = arith.constant 1 : i32
      %dma_start3A_510 = arith.constant 7 : i32
      %dma_start3A_511 = arith.constant 0 : i32
      %dma_start3A_512 = tpu.memref_slice %arg7[%dma_start3A_509, %dma_start3A_510, %dma_start3A_511] : memref<2x8x128xi32, #tpu.memory_space<vmem>> -> memref<1x1x128xi32, #tpu.memory_space<vmem>>
      %dma_start3A_513 = tpu.memref_squeeze %dma_start3A_512 : memref<1x1x128xi32, #tpu.memory_space<vmem>> -> memref<128xi32, #tpu.memory_space<vmem>>
      %dma_start3A_514 = arith.constant 0 : i32
      %dma_start3A_515 = arith.constant 0 : i32
      %dma_start3A_516 = tpu.memref_slice %arg2[%dma_start3A_514, %dma_start3A_515] : memref<10240x128xf32, #tpu.memory_space<hbm>> -> memref<10240x128xf32, #tpu.memory_space<hbm>>
      tpu.enqueue_indirect_dma source(%dma_start3A_516 : memref<10240x128xf32, #tpu.memory_space<hbm>>) target(%arg10 : memref<128x128xf32, #tpu.memory_space<vmem>>) offsets(%dma_start3A_513 : memref<128xi32, #tpu.memory_space<vmem>>) semaphore(%arg13 : memref<!tpu.dma_semaphore, #tpu.memory_space<semaphore_mem>>)
      %dma_wait3A_517 = arith.constant 0 : i32
      %dma_wait3A_518 = arith.constant 0 : i32
      %dma_wait3A_519 = arith.constant 0 : i32
      %dma_wait3A_520 = tpu.memref_slice %arg7[%dma_wait3A_517, %dma_wait3A_518, %dma_wait3A_519] : memref<2x8x128xi32, #tpu.memory_space<vmem>> -> memref<1x1x128xi32, #tpu.memory_space<vmem>>
      %dma_wait3A_521 = tpu.memref_squeeze %dma_wait3A_520 : memref<1x1x128xi32, #tpu.memory_space<vmem>> -> memref<128xi32, #tpu.memory_space<vmem>>
      %dma_wait3A_522 = arith.constant 0 : i32
      %dma_wait3A_523 = arith.constant 0 : i32
      %dma_wait3A_524 = tpu.memref_slice %arg2[%dma_wait3A_522, %dma_wait3A_523] : memref<10240x128xf32, #tpu.memory_space<hbm>> -> memref<10240x128xf32, #tpu.memory_space<hbm>>
      tpu.wait_indirect_dma semaphore(%arg12 : memref<!tpu.dma_semaphore, #tpu.memory_space<semaphore_mem>>) src(%dma_wait3A_524 : memref<10240x128xf32, #tpu.memory_space<hbm>>) dst(%arg9 : memref<128x128xf32, #tpu.memory_space<vmem>>)
      %run_scoped3A_525 = arith.constant 1 : i32
      %run_scoped3A_526 = arith.constant 6 : i32
      "tpu.region"() ({
        %run_scoped3A_589 = tpu.sem_alloc : memref<!tpu.dma_semaphore, #tpu.memory_space<semaphore_mem>>
        %dma_start3A_590 = arith.constant 0 : i32
        %dma_start3A_591 = tpu.memref_slice %arg8[%run_scoped3A_525, %run_scoped3A_526, %dma_start3A_590] : memref<2x8x128xi32, #tpu.memory_space<vmem>> -> memref<1x1x128xi32, #tpu.memory_space<vmem>>
        %dma_start3A_592 = tpu.memref_squeeze %dma_start3A_591 : memref<1x1x128xi32, #tpu.memory_space<vmem>> -> memref<128xi32, #tpu.memory_space<vmem>>
        %dma_start3A_593 = arith.constant 0 : i32
        %dma_start3A_594 = arith.constant 0 : i32
        %dma_start3A_595 = tpu.memref_slice %arg11[%dma_start3A_593, %dma_start3A_594] : memref<10240x128xf32, #tpu.memory_space<vmem_shared>> -> memref<10240x128xf32, #tpu.memory_space<vmem_shared>>
        tpu.enqueue_indirect_dma source(%arg9 : memref<128x128xf32, #tpu.memory_space<vmem>>) target(%dma_start3A_595 : memref<10240x128xf32, #tpu.memory_space<vmem_shared>>) offsets(%dma_start3A_592 : memref<128xi32, #tpu.memory_space<vmem>>) semaphore(%run_scoped3A_589 : memref<!tpu.dma_semaphore, #tpu.memory_space<semaphore_mem>>) {add = true}
        %dma_wait3A_596 = arith.constant 0 : i32
        %dma_wait3A_597 = tpu.memref_slice %arg8[%run_scoped3A_525, %run_scoped3A_526, %dma_wait3A_596] : memref<2x8x128xi32, #tpu.memory_space<vmem>> -> memref<1x1x128xi32, #tpu.memory_space<vmem>>
        %dma_wait3A_598 = tpu.memref_squeeze %dma_wait3A_597 : memref<1x1x128xi32, #tpu.memory_space<vmem>> -> memref<128xi32, #tpu.memory_space<vmem>>
        %dma_wait3A_599 = arith.constant 0 : i32
        %dma_wait3A_600 = arith.constant 0 : i32
        %dma_wait3A_601 = tpu.memref_slice %arg11[%dma_wait3A_599, %dma_wait3A_600] : memref<10240x128xf32, #tpu.memory_space<vmem_shared>> -> memref<10240x128xf32, #tpu.memory_space<vmem_shared>>
        tpu.wait_indirect_dma semaphore(%run_scoped3A_589 : memref<!tpu.dma_semaphore, #tpu.memory_space<semaphore_mem>>) src(%arg9 : memref<128x128xf32, #tpu.memory_space<vmem>>) dst(%dma_wait3A_601 : memref<10240x128xf32, #tpu.memory_space<vmem_shared>>)
        tpu.yield
      }) : () -> ()
      %dma_start3A_527 = arith.constant 0 : i32
      %dma_start3A_528 = arith.constant 0 : i32
      %dma_start3A_529 = arith.constant 0 : i32
      %dma_start3A_530 = tpu.memref_slice %arg7[%dma_start3A_527, %dma_start3A_528, %dma_start3A_529] : memref<2x8x128xi32, #tpu.memory_space<vmem>> -> memref<1x1x128xi32, #tpu.memory_space<vmem>>
      %dma_start3A_531 = tpu.memref_squeeze %dma_start3A_530 : memref<1x1x128xi32, #tpu.memory_space<vmem>> -> memref<128xi32, #tpu.memory_space<vmem>>
      %dma_start3A_532 = arith.constant 0 : i32
      %dma_start3A_533 = arith.constant 0 : i32
      %dma_start3A_534 = tpu.memref_slice %arg2[%dma_start3A_532, %dma_start3A_533] : memref<10240x128xf32, #tpu.memory_space<hbm>> -> memref<10240x128xf32, #tpu.memory_space<hbm>>
      tpu.enqueue_indirect_dma source(%dma_start3A_534 : memref<10240x128xf32, #tpu.memory_space<hbm>>) target(%arg9 : memref<128x128xf32, #tpu.memory_space<vmem>>) offsets(%dma_start3A_531 : memref<128xi32, #tpu.memory_space<vmem>>) semaphore(%arg12 : memref<!tpu.dma_semaphore, #tpu.memory_space<semaphore_mem>>)
      %dma_wait3A_535 = arith.constant 0 : i32
      %dma_wait3A_536 = arith.constant 0 : i32
      %dma_wait3A_537 = arith.constant 0 : i32
      %dma_wait3A_538 = tpu.memref_slice %arg7[%dma_wait3A_535, %dma_wait3A_536, %dma_wait3A_537] : memref<2x8x128xi32, #tpu.memory_space<vmem>> -> memref<1x1x128xi32, #tpu.memory_space<vmem>>
      %dma_wait3A_539 = tpu.memref_squeeze %dma_wait3A_538 : memref<1x1x128xi32, #tpu.memory_space<vmem>> -> memref<128xi32, #tpu.memory_space<vmem>>
      %dma_wait3A_540 = arith.constant 0 : i32
      %dma_wait3A_541 = arith.constant 0 : i32
      %dma_wait3A_542 = tpu.memref_slice %arg2[%dma_wait3A_540, %dma_wait3A_541] : memref<10240x128xf32, #tpu.memory_space<hbm>> -> memref<10240x128xf32, #tpu.memory_space<hbm>>
      tpu.wait_indirect_dma semaphore(%arg13 : memref<!tpu.dma_semaphore, #tpu.memory_space<semaphore_mem>>) src(%dma_wait3A_542 : memref<10240x128xf32, #tpu.memory_space<hbm>>) dst(%arg10 : memref<128x128xf32, #tpu.memory_space<vmem>>)
      %run_scoped3A_543 = arith.constant 1 : i32
      %run_scoped3A_544 = arith.constant 7 : i32
      "tpu.region"() ({
        %run_scoped3A_589 = tpu.sem_alloc : memref<!tpu.dma_semaphore, #tpu.memory_space<semaphore_mem>>
        %dma_start3A_590 = arith.constant 0 : i32
        %dma_start3A_591 = tpu.memref_slice %arg8[%run_scoped3A_543, %run_scoped3A_544, %dma_start3A_590] : memref<2x8x128xi32, #tpu.memory_space<vmem>> -> memref<1x1x128xi32, #tpu.memory_space<vmem>>
        %dma_start3A_592 = tpu.memref_squeeze %dma_start3A_591 : memref<1x1x128xi32, #tpu.memory_space<vmem>> -> memref<128xi32, #tpu.memory_space<vmem>>
        %dma_start3A_593 = arith.constant 0 : i32
        %dma_start3A_594 = arith.constant 0 : i32
        %dma_start3A_595 = tpu.memref_slice %arg11[%dma_start3A_593, %dma_start3A_594] : memref<10240x128xf32, #tpu.memory_space<vmem_shared>> -> memref<10240x128xf32, #tpu.memory_space<vmem_shared>>
        tpu.enqueue_indirect_dma source(%arg10 : memref<128x128xf32, #tpu.memory_space<vmem>>) target(%dma_start3A_595 : memref<10240x128xf32, #tpu.memory_space<vmem_shared>>) offsets(%dma_start3A_592 : memref<128xi32, #tpu.memory_space<vmem>>) semaphore(%run_scoped3A_589 : memref<!tpu.dma_semaphore, #tpu.memory_space<semaphore_mem>>) {add = true}
        %dma_wait3A_596 = arith.constant 0 : i32
        %dma_wait3A_597 = tpu.memref_slice %arg8[%run_scoped3A_543, %run_scoped3A_544, %dma_wait3A_596] : memref<2x8x128xi32, #tpu.memory_space<vmem>> -> memref<1x1x128xi32, #tpu.memory_space<vmem>>
        %dma_wait3A_598 = tpu.memref_squeeze %dma_wait3A_597 : memref<1x1x128xi32, #tpu.memory_space<vmem>> -> memref<128xi32, #tpu.memory_space<vmem>>
        %dma_wait3A_599 = arith.constant 0 : i32
        %dma_wait3A_600 = arith.constant 0 : i32
        %dma_wait3A_601 = tpu.memref_slice %arg11[%dma_wait3A_599, %dma_wait3A_600] : memref<10240x128xf32, #tpu.memory_space<vmem_shared>> -> memref<10240x128xf32, #tpu.memory_space<vmem_shared>>
        tpu.wait_indirect_dma semaphore(%run_scoped3A_589 : memref<!tpu.dma_semaphore, #tpu.memory_space<semaphore_mem>>) src(%arg10 : memref<128x128xf32, #tpu.memory_space<vmem>>) dst(%dma_wait3A_601 : memref<10240x128xf32, #tpu.memory_space<vmem_shared>>)
        tpu.yield
      }) : () -> ()
      %dma_start3A_545 = arith.constant 0 : i32
      %dma_start3A_546 = arith.constant 1 : i32
      %dma_start3A_547 = arith.constant 0 : i32
      %dma_start3A_548 = tpu.memref_slice %arg7[%dma_start3A_545, %dma_start3A_546, %dma_start3A_547] : memref<2x8x128xi32, #tpu.memory_space<vmem>> -> memref<1x1x128xi32, #tpu.memory_space<vmem>>
      %dma_start3A_549 = tpu.memref_squeeze %dma_start3A_548 : memref<1x1x128xi32, #tpu.memory_space<vmem>> -> memref<128xi32, #tpu.memory_space<vmem>>
      %dma_start3A_550 = arith.constant 0 : i32
      %dma_start3A_551 = arith.constant 0 : i32
      %dma_start3A_552 = tpu.memref_slice %arg2[%dma_start3A_550, %dma_start3A_551] : memref<10240x128xf32, #tpu.memory_space<hbm>> -> memref<10240x128xf32, #tpu.memory_space<hbm>>
      tpu.enqueue_indirect_dma source(%dma_start3A_552 : memref<10240x128xf32, #tpu.memory_space<hbm>>) target(%arg10 : memref<128x128xf32, #tpu.memory_space<vmem>>) offsets(%dma_start3A_549 : memref<128xi32, #tpu.memory_space<vmem>>) semaphore(%arg13 : memref<!tpu.dma_semaphore, #tpu.memory_space<semaphore_mem>>)
      %add3A_553 = arith.constant 2 : i32
      %add3A_554 = arith.addi %add3A_378, %add3A_553 : i32
      %min3A_555 = arith.constant 19 : i32
      %min3A_556 = arith.minsi %add3A_554, %min3A_555 : i32
      %mul3A_557 = arith.constant 8 : i32
      %mul3A_558 = arith.muli %min3A_556, %mul3A_557 : i32
      %add3A_559 = arith.addi %mul3A_0, %mul3A_558 : i32
      %dma_start3A_560 = arith.constant 1 : i32
      %dma_start3A_561 = arith.constant 0 : i32
      %dma_start3A_562 = arith.constant 0 : i32
      %dma_start3A_563 = tpu.memref_slice %arg7[%dma_start3A_560, %dma_start3A_561, %dma_start3A_562] : memref<2x8x128xi32, #tpu.memory_space<vmem>> -> memref<1x8x128xi32, #tpu.memory_space<vmem>>
      %dma_start3A_564 = tpu.memref_squeeze %dma_start3A_563 : memref<1x8x128xi32, #tpu.memory_space<vmem>> -> memref<8x128xi32, #tpu.memory_space<vmem>>
      %dma_start3A_565 = arith.constant 0 : i32
      %dma_start3A_566 = tpu.memref_slice %arg3[%add3A_559, %dma_start3A_565] : memref<2560x128xi32, #tpu.memory_space<hbm>> -> memref<8x128xi32, #tpu.memory_space<hbm>>
      %dma_start3A_567 = arith.constant 0 : i32
      %dma_start3A_568 = arith.constant 0 : i32
      %dma_start3A_569 = tpu.memref_slice %arg7[%dma_start3A_560, %dma_start3A_567, %dma_start3A_568] : memref<2x8x128xi32, #tpu.memory_space<vmem>> -> memref<1x8x128xi32, #tpu.memory_space<vmem>>
      %dma_start3A_570 = tpu.memref_squeeze %dma_start3A_569 : memref<1x8x128xi32, #tpu.memory_space<vmem>> -> memref<8x128xi32, #tpu.memory_space<vmem>>
      %dma_start3A_571 = arith.constant 0 : i32
      %dma_start3A_572 = tpu.memref_slice %arg3[%add3A_559, %dma_start3A_571] : memref<2560x128xi32, #tpu.memory_space<hbm>> -> memref<8x128xi32, #tpu.memory_space<hbm>>
      tpu.enqueue_dma source(%dma_start3A_572 : memref<8x128xi32, #tpu.memory_space<hbm>>) target(%dma_start3A_570 : memref<8x128xi32, #tpu.memory_space<vmem>>) target_semaphore(%arg15 : memref<!tpu.dma_semaphore, #tpu.memory_space<semaphore_mem>>)
      %mul3A_573 = arith.constant 8 : i32
      %mul3A_574 = arith.muli %min3A_556, %mul3A_573 : i32
      %add3A_575 = arith.addi %mul3A_0, %mul3A_574 : i32
      %dma_start3A_576 = arith.constant 1 : i32
      %dma_start3A_577 = arith.constant 0 : i32
      %dma_start3A_578 = arith.constant 0 : i32
      %dma_start3A_579 = tpu.memref_slice %arg8[%dma_start3A_576, %dma_start3A_577, %dma_start3A_578] : memref<2x8x128xi32, #tpu.memory_space<vmem>> -> memref<1x8x128xi32, #tpu.memory_space<vmem>>
      %dma_start3A_580 = tpu.memref_squeeze %dma_start3A_579 : memref<1x8x128xi32, #tpu.memory_space<vmem>> -> memref<8x128xi32, #tpu.memory_space<vmem>>
      %dma_start3A_581 = arith.constant 0 : i32
      %dma_start3A_582 = tpu.memref_slice %arg4[%add3A_575, %dma_start3A_581] : memref<2560x128xi32, #tpu.memory_space<hbm>> -> memref<8x128xi32, #tpu.memory_space<hbm>>
      %dma_start3A_583 = arith.constant 0 : i32
      %dma_start3A_584 = arith.constant 0 : i32
      %dma_start3A_585 = tpu.memref_slice %arg8[%dma_start3A_576, %dma_start3A_583, %dma_start3A_584] : memref<2x8x128xi32, #tpu.memory_space<vmem>> -> memref<1x8x128xi32, #tpu.memory_space<vmem>>
      %dma_start3A_586 = tpu.memref_squeeze %dma_start3A_585 : memref<1x8x128xi32, #tpu.memory_space<vmem>> -> memref<8x128xi32, #tpu.memory_space<vmem>>
      %dma_start3A_587 = arith.constant 0 : i32
      %dma_start3A_588 = tpu.memref_slice %arg4[%add3A_575, %dma_start3A_587] : memref<2560x128xi32, #tpu.memory_space<hbm>> -> memref<8x128xi32, #tpu.memory_space<hbm>>
      tpu.enqueue_dma source(%dma_start3A_588 : memref<8x128xi32, #tpu.memory_space<hbm>>) target(%dma_start3A_586 : memref<8x128xi32, #tpu.memory_space<vmem>>) target_semaphore(%arg15 : memref<!tpu.dma_semaphore, #tpu.memory_space<semaphore_mem>>)
    }
    %scan3A_110 = arith.constant 10 : i32
    %dma_wait3A_111 = arith.constant 0 : i32
    %dma_wait3A_112 = arith.constant 0 : i32
    %dma_wait3A_113 = arith.constant 0 : i32
    %dma_wait3A_114 = tpu.memref_slice %arg7[%dma_wait3A_111, %dma_wait3A_112, %dma_wait3A_113] : memref<2x8x128xi32, #tpu.memory_space<vmem>> -> memref<1x1x128xi32, #tpu.memory_space<vmem>>
    %dma_wait3A_115 = tpu.memref_squeeze %dma_wait3A_114 : memref<1x1x128xi32, #tpu.memory_space<vmem>> -> memref<128xi32, #tpu.memory_space<vmem>>
    %dma_wait3A_116 = arith.constant 0 : i32
    %dma_wait3A_117 = arith.constant 0 : i32
    %dma_wait3A_118 = tpu.memref_slice %arg2[%dma_wait3A_116, %dma_wait3A_117] : memref<10240x128xf32, #tpu.memory_space<hbm>> -> memref<10240x128xf32, #tpu.memory_space<hbm>>
    tpu.wait_indirect_dma semaphore(%arg12 : memref<!tpu.dma_semaphore, #tpu.memory_space<semaphore_mem>>) src(%dma_wait3A_118 : memref<10240x128xf32, #tpu.memory_space<hbm>>) dst(%arg9 : memref<128x128xf32, #tpu.memory_space<vmem>>)
    %dma_wait3A_119 = arith.constant 0 : i32
    %dma_wait3A_120 = arith.constant 0 : i32
    %dma_wait3A_121 = arith.constant 0 : i32
    %dma_wait3A_122 = tpu.memref_slice %arg7[%dma_wait3A_119, %dma_wait3A_120, %dma_wait3A_121] : memref<2x8x128xi32, #tpu.memory_space<vmem>> -> memref<1x1x128xi32, #tpu.memory_space<vmem>>
    %dma_wait3A_123 = tpu.memref_squeeze %dma_wait3A_122 : memref<1x1x128xi32, #tpu.memory_space<vmem>> -> memref<128xi32, #tpu.memory_space<vmem>>
    %dma_wait3A_124 = arith.constant 0 : i32
    %dma_wait3A_125 = arith.constant 0 : i32
    %dma_wait3A_126 = tpu.memref_slice %arg2[%dma_wait3A_124, %dma_wait3A_125] : memref<10240x128xf32, #tpu.memory_space<hbm>> -> memref<10240x128xf32, #tpu.memory_space<hbm>>
    tpu.wait_indirect_dma semaphore(%arg13 : memref<!tpu.dma_semaphore, #tpu.memory_space<semaphore_mem>>) src(%dma_wait3A_126 : memref<10240x128xf32, #tpu.memory_space<hbm>>) dst(%arg10 : memref<128x128xf32, #tpu.memory_space<vmem>>)
    %dma_wait3A_127 = arith.constant 1 : i32
    %dma_wait3A_128 = arith.constant 0 : i32
    %dma_wait3A_129 = arith.constant 0 : i32
    %dma_wait3A_130 = tpu.memref_slice %arg7[%dma_wait3A_127, %dma_wait3A_128, %dma_wait3A_129] : memref<2x8x128xi32, #tpu.memory_space<vmem>> -> memref<1x8x128xi32, #tpu.memory_space<vmem>>
    %dma_wait3A_131 = tpu.memref_squeeze %dma_wait3A_130 : memref<1x8x128xi32, #tpu.memory_space<vmem>> -> memref<8x128xi32, #tpu.memory_space<vmem>>
    %dma_wait3A_132 = arith.constant 0 : i32
    %dma_wait3A_133 = arith.constant 0 : i32
    %dma_wait3A_134 = tpu.memref_slice %arg3[%dma_wait3A_132, %dma_wait3A_133] : memref<2560x128xi32, #tpu.memory_space<hbm>> -> memref<8x128xi32, #tpu.memory_space<hbm>>
    %dma_wait3A_135 = arith.constant 0 : i32
    %dma_wait3A_136 = arith.constant 0 : i32
    %dma_wait3A_137 = tpu.memref_slice %arg7[%dma_wait3A_127, %dma_wait3A_135, %dma_wait3A_136] : memref<2x8x128xi32, #tpu.memory_space<vmem>> -> memref<1x8x128xi32, #tpu.memory_space<vmem>>
    %dma_wait3A_138 = tpu.memref_squeeze %dma_wait3A_137 : memref<1x8x128xi32, #tpu.memory_space<vmem>> -> memref<8x128xi32, #tpu.memory_space<vmem>>
    %dma_wait3A_139 = arith.constant 0 : i32
    %dma_wait3A_140 = arith.constant 0 : i32
    %dma_wait3A_141 = tpu.memref_slice %arg3[%dma_wait3A_139, %dma_wait3A_140] : memref<2560x128xi32, #tpu.memory_space<hbm>> -> memref<8x128xi32, #tpu.memory_space<hbm>>
    tpu.wait_dma2 semaphore(%arg15 : memref<!tpu.dma_semaphore, #tpu.memory_space<semaphore_mem>>) src(%dma_wait3A_141 : memref<8x128xi32, #tpu.memory_space<hbm>>) dst(%dma_wait3A_138 : memref<8x128xi32, #tpu.memory_space<vmem>>)
    %dma_wait3A_142 = arith.constant 1 : i32
    %dma_wait3A_143 = arith.constant 0 : i32
    %dma_wait3A_144 = arith.constant 0 : i32
    %dma_wait3A_145 = tpu.memref_slice %arg8[%dma_wait3A_142, %dma_wait3A_143, %dma_wait3A_144] : memref<2x8x128xi32, #tpu.memory_space<vmem>> -> memref<1x8x128xi32, #tpu.memory_space<vmem>>
    %dma_wait3A_146 = tpu.memref_squeeze %dma_wait3A_145 : memref<1x8x128xi32, #tpu.memory_space<vmem>> -> memref<8x128xi32, #tpu.memory_space<vmem>>
    %dma_wait3A_147 = arith.constant 0 : i32
    %dma_wait3A_148 = arith.constant 0 : i32
    %dma_wait3A_149 = tpu.memref_slice %arg4[%dma_wait3A_147, %dma_wait3A_148] : memref<2560x128xi32, #tpu.memory_space<hbm>> -> memref<8x128xi32, #tpu.memory_space<hbm>>
    %dma_wait3A_150 = arith.constant 0 : i32
    %dma_wait3A_151 = arith.constant 0 : i32
    %dma_wait3A_152 = tpu.memref_slice %arg8[%dma_wait3A_142, %dma_wait3A_150, %dma_wait3A_151] : memref<2x8x128xi32, #tpu.memory_space<vmem>> -> memref<1x8x128xi32, #tpu.memory_space<vmem>>
    %dma_wait3A_153 = tpu.memref_squeeze %dma_wait3A_152 : memref<1x8x128xi32, #tpu.memory_space<vmem>> -> memref<8x128xi32, #tpu.memory_space<vmem>>
    %dma_wait3A_154 = arith.constant 0 : i32
    %dma_wait3A_155 = arith.constant 0 : i32
    %dma_wait3A_156 = tpu.memref_slice %arg4[%dma_wait3A_154, %dma_wait3A_155] : memref<2560x128xi32, #tpu.memory_space<hbm>> -> memref<8x128xi32, #tpu.memory_space<hbm>>
    tpu.wait_dma2 semaphore(%arg15 : memref<!tpu.dma_semaphore, #tpu.memory_space<semaphore_mem>>) src(%dma_wait3A_156 : memref<8x128xi32, #tpu.memory_space<hbm>>) dst(%dma_wait3A_153 : memref<8x128xi32, #tpu.memory_space<vmem>>)
    %barrier3A_157 = arith.constant 0 : index
    tpu.barrier barrier_id(%barrier3A_157)
    %mul3A_158 = arith.constant 640 : i32
    %mul3A_159 = arith.muli %arg1, %mul3A_158 : i32
    %mul3A_160 = arith.constant 640 : i32
    %mul3A_161 = arith.muli %arg1, %mul3A_160 : i32
    "tpu.region"() ({
      %run_scoped3A = tpu.sem_alloc : memref<!tpu.dma_semaphore, #tpu.memory_space<semaphore_mem>>
      %dma_start3A_162 = arith.constant 0 : i32
      %dma_start3A_163 = tpu.memref_slice %arg6[%mul3A_161, %dma_start3A_162] : memref<10240x128xf32, #tpu.memory_space<hbm>> -> memref<640x128xf32, #tpu.memory_space<hbm>>
      %dma_start3A_164 = arith.constant 0 : i32
      %dma_start3A_165 = tpu.memref_slice %arg11[%mul3A_159, %dma_start3A_164] : memref<10240x128xf32, #tpu.memory_space<vmem_shared>> -> memref<640x128xf32, #tpu.memory_space<vmem_shared>>
      tpu.enqueue_dma source(%dma_start3A_165 : memref<640x128xf32, #tpu.memory_space<vmem_shared>>) target(%dma_start3A_163 : memref<640x128xf32, #tpu.memory_space<hbm>>) target_semaphore(%run_scoped3A : memref<!tpu.dma_semaphore, #tpu.memory_space<semaphore_mem>>)
      %dma_wait3A_166 = arith.constant 0 : i32
      %dma_wait3A_167 = tpu.memref_slice %arg6[%mul3A_161, %dma_wait3A_166] : memref<10240x128xf32, #tpu.memory_space<hbm>> -> memref<640x128xf32, #tpu.memory_space<hbm>>
      %dma_wait3A_168 = arith.constant 0 : i32
      %dma_wait3A_169 = tpu.memref_slice %arg11[%mul3A_159, %dma_wait3A_168] : memref<10240x128xf32, #tpu.memory_space<vmem_shared>> -> memref<640x128xf32, #tpu.memory_space<vmem_shared>>
      tpu.wait_dma2 semaphore(%run_scoped3A : memref<!tpu.dma_semaphore, #tpu.memory_space<semaphore_mem>>) src(%dma_wait3A_169 : memref<640x128xf32, #tpu.memory_space<vmem_shared>>) dst(%dma_wait3A_167 : memref<640x128xf32, #tpu.memory_space<hbm>>)
      tpu.yield
    }) : () -> ()
    return
  }
}

module attributes {stable_mosaic.version = 14 : i64} {
  func.func @body(%arg0: i32, %arg1: memref<1024x128xf32, #tpu.memory_space<vmem>>, %arg2: memref<128x128xf32, #tpu.memory_space<vmem>>, %arg3: memref<1024x1xf32, #tpu.memory_space<vmem>>, %arg4: memref<1024x1xf32, #tpu.memory_space<vmem>>, %arg5: memref<1024x128xf32, #tpu.memory_space<vmem>>, %arg6: memref<1024x1xf32, #tpu.memory_space<vmem>>) attributes {dimension_semantics = [#tpu.dimension_semantics<arbitrary>], iteration_bounds = array<i64: 10>, scalar_prefetch = 0 : i64, scratch_operands = 0 : i64, tpu.core_type = #tpu.core_type<tc>, window_params = [{transform_indices = @transform_0, window_bounds = array<i64: 1024, 128>}, {pipeline_mode = #tpu.pipeline_mode<synchronous>, transform_indices = @transform_1, window_bounds = array<i64: 128, 128>}, {transform_indices = @transform_2, window_bounds = array<i64: 1024, 1>}, {transform_indices = @transform_3, window_bounds = array<i64: 1024, 1>}, {transform_indices = @transform_4, window_bounds = array<i64: 1024, 128>}, {transform_indices = @transform_5, window_bounds = array<i64: 1024, 1>}]} {
    %get3A = arith.constant 0 : index
    %get3A_0 = arith.constant 0 : index
    %get3A_1 = vector.load %arg3[%get3A, %get3A_0] : memref<1024x1xf32, #tpu.memory_space<vmem>>, vector<1024x1xf32>
    %get3A_2 = arith.constant 0 : index
    %get3A_3 = arith.constant 0 : index
    %get3A_4 = vector.load %arg4[%get3A_2, %get3A_3] : memref<1024x1xf32, #tpu.memory_space<vmem>>, vector<1024x1xf32>
    %add3A = arith.addf %get3A_1, %get3A_4 : vector<1024x1xf32>
    %add3A_5 = arith.constant 1.000000e+00 : f32
    %add3A_6 = vector.broadcast %add3A_5 : f32 to vector<1024x1xf32>
    %add3A_7 = arith.addf %add3A, %add3A_6 : vector<1024x1xf32>
    %rsqrt3A = math.rsqrt %add3A_7 : vector<1024x1xf32>
    %get3A_8 = arith.constant 0 : index
    %get3A_9 = arith.constant 0 : index
    %get3A_10 = vector.load %arg1[%get3A_8, %get3A_9] : memref<1024x128xf32, #tpu.memory_space<vmem>>, vector<1024x128xf32>
    %get3A_11 = arith.constant 0 : index
    %get3A_12 = arith.constant 0 : index
    %get3A_13 = vector.load %arg2[%get3A_11, %get3A_12] : memref<128x128xf32, #tpu.memory_space<vmem>>, vector<128x128xf32>
    %dot_general3A = arith.constant dense<0.000000e+00> : vector<1024x128xf32>
    %dot_general3A_14 = tpu.matmul %get3A_10, %get3A_13, %dot_general3A {dimension_numbers = #tpu.dot_dimension_numbers<[1], [0], [0], [1], [0, 0, 1, 1], [], []>, precision = #tpu.contract_precision<fp32>, transpose_lhs_hint = false} : vector<1024x128xf32>, vector<128x128xf32>, vector<1024x128xf32> -> vector<1024x128xf32>
    %mul3A = vector.broadcast %rsqrt3A : vector<1024x1xf32> to vector<1024x128xf32>
    %mul3A_15 = arith.mulf %dot_general3A_14, %mul3A : vector<1024x128xf32>
    %swap3A = arith.constant 0 : index
    %swap3A_16 = arith.constant 0 : index
    %swap3A_17 = vector.load %arg5[%swap3A, %swap3A_16] : memref<1024x128xf32, #tpu.memory_space<vmem>>, vector<1024x128xf32>
    tpu.vector_store %arg5[%swap3A, %swap3A_16], %mul3A_15 {strides = array<i32>} : memref<1024x128xf32, #tpu.memory_space<vmem>>, vector<1024x128xf32>,
    %swap3A_18 = arith.constant 0 : index
    %swap3A_19 = arith.constant 0 : index
    %swap3A_20 = vector.load %arg6[%swap3A_18, %swap3A_19] : memref<1024x1xf32, #tpu.memory_space<vmem>>, vector<1024x1xf32>
    tpu.vector_store %arg6[%swap3A_18, %swap3A_19], %rsqrt3A {strides = array<i32>} : memref<1024x1xf32, #tpu.memory_space<vmem>>, vector<1024x1xf32>,
    return
  }
  func.func @transform_0(%arg0: i32) -> (i32, i32) {
    %c0_i32 = arith.constant 0 : i32
    %c0_i32_0 = arith.constant 0 : i32
    return %arg0, %c0_i32 : i32, i32
  }
  func.func @transform_1(%arg0: i32) -> (i32, i32) {
    %c0_i32 = arith.constant 0 : i32
    %c0_i32_0 = arith.constant 0 : i32
    %c0_i32_1 = arith.constant 0 : i32
    return %c0_i32, %c0_i32_0 : i32, i32
  }
  func.func @transform_2(%arg0: i32) -> (i32, i32) {
    %c0_i32 = arith.constant 0 : i32
    %c0_i32_0 = arith.constant 0 : i32
    return %arg0, %c0_i32 : i32, i32
  }
  func.func @transform_3(%arg0: i32) -> (i32, i32) {
    %c0_i32 = arith.constant 0 : i32
    %c0_i32_0 = arith.constant 0 : i32
    return %arg0, %c0_i32 : i32, i32
  }
  func.func @transform_4(%arg0: i32) -> (i32, i32) {
    %c0_i32 = arith.constant 0 : i32
    %c0_i32_0 = arith.constant 0 : i32
    return %arg0, %c0_i32 : i32, i32
  }
  func.func @transform_5(%arg0: i32) -> (i32, i32) {
    %c0_i32 = arith.constant 0 : i32
    %c0_i32_0 = arith.constant 0 : i32
    return %arg0, %c0_i32 : i32, i32
  }
}

module attributes {stable_mosaic.version = 14 : i64} {
  func.func @body(%arg0: i32, %arg1: memref<1024x128xf32, #tpu.memory_space<vmem>>, %arg2: memref<1024x128xf32, #tpu.memory_space<vmem>>, %arg3: memref<1024x1xf32, #tpu.memory_space<vmem>>, %arg4: memref<1x128xf32, #tpu.memory_space<vmem>>, %arg5: memref<1x128xf32, #tpu.memory_space<vmem>>, %arg6: memref<1024x128xf32, #tpu.memory_space<vmem>>) attributes {dimension_semantics = [#tpu.dimension_semantics<arbitrary>], iteration_bounds = array<i64: 10>, scalar_prefetch = 0 : i64, scratch_operands = 0 : i64, tpu.core_type = #tpu.core_type<tc>, window_params = [{transform_indices = @transform_0, window_bounds = array<i64: 1024, 128>}, {transform_indices = @transform_1, window_bounds = array<i64: 1024, 128>}, {transform_indices = @transform_2, window_bounds = array<i64: 1024, 1>}, {pipeline_mode = #tpu.pipeline_mode<synchronous>, transform_indices = @transform_3, window_bounds = array<i64: 1, 128>}, {pipeline_mode = #tpu.pipeline_mode<synchronous>, transform_indices = @transform_4, window_bounds = array<i64: 1, 128>}, {transform_indices = @transform_5, window_bounds = array<i64: 1024, 128>}]} {
    %get3A = arith.constant 0 : index
    %get3A_0 = arith.constant 0 : index
    %get3A_1 = vector.load %arg1[%get3A, %get3A_0] : memref<1024x128xf32, #tpu.memory_space<vmem>>, vector<1024x128xf32>
    %get3A_2 = arith.constant 0 : index
    %get3A_3 = arith.constant 0 : index
    %get3A_4 = vector.load %arg2[%get3A_2, %get3A_3] : memref<1024x128xf32, #tpu.memory_space<vmem>>, vector<1024x128xf32>
    %add3A = arith.addf %get3A_1, %get3A_4 : vector<1024x128xf32>
    %get3A_5 = arith.constant 0 : index
    %get3A_6 = arith.constant 0 : index
    %get3A_7 = vector.load %arg3[%get3A_5, %get3A_6] : memref<1024x1xf32, #tpu.memory_space<vmem>>, vector<1024x1xf32>
    %mul3A = vector.broadcast %get3A_7 : vector<1024x1xf32> to vector<1024x128xf32>
    %mul3A_8 = arith.mulf %mul3A, %add3A : vector<1024x128xf32>
    %get3A_9 = arith.constant 0 : index
    %get3A_10 = arith.constant 0 : index
    %get3A_11 = vector.load %arg4[%get3A_9, %get3A_10] : memref<1x128xf32, #tpu.memory_space<vmem>>, vector<1x128xf32>
    %add3A_12 = vector.broadcast %get3A_11 : vector<1x128xf32> to vector<1024x128xf32>
    %add3A_13 = arith.addf %mul3A_8, %add3A_12 : vector<1024x128xf32>
    %gt3A = arith.constant 0.000000e+00 : f32
    %gt3A_14 = vector.broadcast %gt3A : f32 to vector<1024x128xf32>
    %gt3A_15 = arith.cmpf ogt, %add3A_13, %gt3A_14 : vector<1024x128xf32>
    %get3A_16 = arith.constant 0 : index
    %get3A_17 = arith.constant 0 : index
    %get3A_18 = vector.load %arg5[%get3A_16, %get3A_17] : memref<1x128xf32, #tpu.memory_space<vmem>>, vector<1x128xf32>
    %mul3A_19 = vector.broadcast %get3A_18 : vector<1x128xf32> to vector<1024x128xf32>
    %mul3A_20 = arith.mulf %mul3A_19, %add3A_13 : vector<1024x128xf32>
    %select_n3A = arith.select %gt3A_15, %add3A_13, %mul3A_20 : vector<1024x128xi1>, vector<1024x128xf32>
    %swap3A = arith.constant 0 : index
    %swap3A_21 = arith.constant 0 : index
    %swap3A_22 = vector.load %arg6[%swap3A, %swap3A_21] : memref<1024x128xf32, #tpu.memory_space<vmem>>, vector<1024x128xf32>
    tpu.vector_store %arg6[%swap3A, %swap3A_21], %select_n3A {strides = array<i32>} : memref<1024x128xf32, #tpu.memory_space<vmem>>, vector<1024x128xf32>,
    return
  }
  func.func @transform_0(%arg0: i32) -> (i32, i32) {
    %c0_i32 = arith.constant 0 : i32
    %c0_i32_0 = arith.constant 0 : i32
    return %arg0, %c0_i32 : i32, i32
  }
  func.func @transform_1(%arg0: i32) -> (i32, i32) {
    %c0_i32 = arith.constant 0 : i32
    %c0_i32_0 = arith.constant 0 : i32
    return %arg0, %c0_i32 : i32, i32
  }
  func.func @transform_2(%arg0: i32) -> (i32, i32) {
    %c0_i32 = arith.constant 0 : i32
    %c0_i32_0 = arith.constant 0 : i32
    return %arg0, %c0_i32 : i32, i32
  }
  func.func @transform_3(%arg0: i32) -> (i32, i32) {
    %c0_i32 = arith.constant 0 : i32
    %c0_i32_0 = arith.constant 0 : i32
    %c0_i32_1 = arith.constant 0 : i32
    return %c0_i32, %c0_i32_0 : i32, i32
  }
  func.func @transform_4(%arg0: i32) -> (i32, i32) {
    %c0_i32 = arith.constant 0 : i32
    %c0_i32_0 = arith.constant 0 : i32
    %c0_i32_1 = arith.constant 0 : i32
    return %c0_i32, %c0_i32_0 : i32, i32
  }
  func.func @transform_5(%arg0: i32) -> (i32, i32) {
    %c0_i32 = arith.constant 0 : i32
    %c0_i32_0 = arith.constant 0 : i32
    return %arg0, %c0_i32 : i32, i32
  }
}

</mosaic_0001>

<sc_bundles>
// kernel: kernel.6.cloned.1.call-start
scs
__scs_entry_jumppad:
0x0: {  	(pc) =	sbr.rel $0x88, $3  }
0x1: {  	(tag) =	ssettag $0x0;
	lr =	simm.s32 $0x1  }
0x2: {  	[smem:$0x3F9C] =	sst lr;
	_ =	strace $0xD0000000  }
0x3: {  	_ = 	snop  }
0x4: {  	_ = 	snop  }
0x5: {  	_ = 	snop  }
0x6: {  	_ = 	snop  }
0x7: {  	_ = 	snop  }
__scs_overlays_trampoline_lowered:
0x8: {  	[smem:$0x3FAB] =	sst s0  }
0x9: {  	[smem:$0x3FAC] =	sst s1  }
0xa: {  	[smem:$0x3FAD] =	sst s2  }
0xb: {  	[smem:$0x3FAE] =	sst s3  }
0xc: {  	[smem:$0x3FAF] =	sst s4  }
0xd: {  	[smem:$0x3FB0] =	sst s5  }
0xe: {  	[smem:$0x3FB1] =	sst s6  }
0xf: {  	[smem:$0x3FB2] =	sst s7  }
0x10: {  	[smem:$0x3FB3] =	sst s8  }
0x11: {  	[smem:$0x3FB4] =	sst s9;
	s0 =	simm.s32 @!p0 $0x0  }
0x12: {  	s1 =	sld [smem:$0x3F9A];
	s0 =	simm.s32 @p0 $0x1  }
0x13: {  	[smem:$0x3FB5] =	sst s0;
	s0 =	simm.s32 @!p1 $0x0  }
0x14: {  	s2 =	sld [smem:$0x3F99];
	s0 =	simm.s32 @p1 $0x1  }
0x15: {  	[smem:$0x3FB6] =	sst s0;
	s0 =	simm.s32 @!p2 $0x0  }
0x16: {  	s3 =	sld [smem:$0x3FDB];
	s0 =	simm.s32 @p2 $0x1  }
0x17: {  	s4 =	simm.s32 $0x1BF5;
	[smem:$0x3FB8] =	sst s0  }
0x18: {  	s0 =	sld [smem:$0x3F9B];
	_ =	swait.ge [sflag:s4], $0x0  }
0x19: {  	s7 =	sld [smem:$0x3F9C]  }
0x1a: {  	s8 =	sadd.s32 $0xFFFFE003, lr  }
0x1b: {  	s9 =	sadd.s32 $0xFFFFFEF7, lr;
	s5 =	simm.s32 $0xFFFFFFFF;
	p2 =	slt.u32 s8, $0xFFFFF086  }
0x1c: {  	p1 =	slt.u32 s9, $0xF7A;
	s5 =	simm.s32 @!p2 $0x0  }
0x1d: {  	s5 =	simm.s32 @p1 $0x1;
	p0 =	seq.s32 s7, s2  }
0x1e: {  	s7 =	smul.u32 @!p0 $0xF7A, s2;
	p2 =	seq.s32 @!p0 s5, $0x0  }
0x1f: {  	s9 =	smul.u32 $0xF7A, s1;
	s8 =	simm.s32 @!p0 $0x1BF5;
	p2 =	por !p2, p0  }
0x20: {  	[sflag:s8] =	ssyncset.s32 @!p0 $0xFFFFF086;
	s6 =	sadd.s32 @!p0 s3, s7;
	s7 =	simm.s32 @!p0 $0x108  }
0x21: {  	s3 =	sadd.s32 s3, s9;
	s6 =	sadd.s32 @!p0 $0x88, s6;
	s7 =	simm.s32 @p2 $0x1082  }
0x22: {  	[simem:s7], [sflag:s8] =	dma.local @!p0 [hbm:s6], $0xF7A  }
0x23: {  	s9 =	sor.u32 $0xD0000000, s2;
	s6 =	simm.s32 $0x108;
	_ =	swait.ge @!p0 [sflag:s8], $0x0  }
0x24: {  	s3 =	sadd.s32 $0x88, s3;
	s6 =	simm.s32 @!p1 $0x1082;
	[sflag:s4] =	ssyncset.s32 $0xFFFFF086  }
0x25: {  	[simem:s6], [sflag:s4] =	dma.local [hbm:s3], $0xF7A  }
0x26: {  	[smem:$0x3F9C] =	sst s1;
	(tag) =	ssettag s2;
	_ =	strace s9  }
0x27: {  	s1 =	sld [smem:$0x3FAC]  }
0x28: {  	s2 =	sld [smem:$0x3FAD]  }
0x29: {  	s4 =	sld [smem:$0x3FAF]  }
0x2a: {  	p0 =	seq.s32 s5, $0x0;
	s5 =	sld [smem:$0x3FB0]  }
0x2b: {  	s6 =	sld [smem:$0x3FB1]  }
0x2c: {  	s7 =	sld [smem:$0x3FB2]  }
0x2d: {  	s3 =	simm.s32 $0x108;
	s8 =	sld [smem:$0x3FB3]  }
0x2e: {  	s3 =	simm.s32 @!p0 $0x1082;
	s9 =	sld [smem:$0x3FB4]  }
0x2f: {  	lr =	sadd.s32 s0, s3;
	s0 =	sld [smem:$0x3FAB]  }
0x30: {  	s3 =	sld [smem:$0x3FAE]  }
0x31: {  	[smem:$0x3FB7] =	sst s10  }
0x32: {  	s10 =	sld [smem:$0x3FB5];
	_ =	sdelay $0x3  }
0x33: {  	p0 =	seq.s32 s10, $0x1;
	s10 =	sld [smem:$0x3FB7];
	_ =	sdelay $0x3  }
0x34: {  	[smem:$0x3FB7] =	sst s10  }
0x35: {  	s10 =	sld [smem:$0x3FB6];
	_ =	sdelay $0x3  }
0x36: {  	p1 =	seq.s32 s10, $0x1;
	s10 =	sld [smem:$0x3FB7];
	_ =	sdelay $0x3  }
0x37: {  	[smem:$0x3FB7] =	sst s10  }
0x38: {  	s10 =	sld [smem:$0x3FB8]  }
0x39: {  	_ = 	snop;
	(pc) =	sbr.ind lr, $3  }
0x3a: {  	_ = 	snop  }
0x3b: {  	_ = 	snop  }
0x3c: {  	p2 =	seq.s32 s10, $0x1;
	s10 =	sld [smem:$0x3FB7]  }
0x3d: {  	_ =	shalt  }
0x3e: {  	_ =	shalt  }
0x3f: {  	_ =	shalt  }
0x40: {  	_ =	shalt  }
0x41: {  	_ =	shalt  }
0x42: {  	_ =	shalt  }
0x43: {  	_ =	shalt  }
0x44: {  	_ =	shalt  }
0x45: {  	_ =	shalt  }
0x46: {  	_ =	shalt  }
0x47: {  	_ =	shalt  }
0x48: {  	_ =	shalt  }
0x49: {  	_ =	shalt  }
0x4a: {  	_ =	shalt  }
0x4b: {  	_ =	shalt  }
0x4c: {  	_ =	shalt  }
0x4d: {  	_ =	shalt  }
0x4e: {  	_ =	shalt  }
0x4f: {  	_ =	shalt  }
0x50: {  	_ =	shalt  }
0x51: {  	_ =	shalt  }
0x52: {  	_ =	shalt  }
0x53: {  	_ =	shalt  }
0x54: {  	_ =	shalt  }
0x55: {  	_ =	shalt  }
0x56: {  	_ =	shalt  }
0x57: {  	_ =	shalt  }
0x58: {  	_ =	shalt  }
0x59: {  	_ =	shalt  }
0x5a: {  	_ =	shalt  }
0x5b: {  	_ =	shalt  }
0x5c: {  	_ =	shalt  }
0x5d: {  	_ =	shalt  }
0x5e: {  	_ =	shalt  }
0x5f: {  	_ =	shalt  }
0x60: {  	_ =	shalt  }
0x61: {  	_ =	shalt  }
0x62: {  	_ =	shalt  }
0x63: {  	_ =	shalt  }
0x64: {  	_ =	shalt  }
0x65: {  	_ =	shalt  }
0x66: {  	_ =	shalt  }
0x67: {  	_ =	shalt  }
0x68: {  	_ =	shalt  }
0x69: {  	_ =	shalt  }
0x6a: {  	_ =	shalt  }
0x6b: {  	_ =	shalt  }
0x6c: {  	_ =	shalt  }
0x6d: {  	_ =	shalt  }
0x6e: {  	_ =	shalt  }
0x6f: {  	_ =	shalt  }
0x70: {  	_ =	shalt  }
0x71: {  	_ =	shalt  }
0x72: {  	_ =	shalt  }
0x73: {  	_ =	shalt  }
0x74: {  	_ =	shalt  }
0x75: {  	_ =	shalt  }
0x76: {  	_ =	shalt  }
0x77: {  	_ =	shalt  }
0x78: {  	_ =	shalt  }
0x79: {  	_ =	shalt  }
0x7a: {  	_ =	shalt  }
0x7b: {  	_ =	shalt  }
0x7c: {  	_ =	shalt  }
0x7d: {  	_ =	shalt  }
0x7e: {  	_ =	shalt  }
0x7f: {  	_ =	shalt  }
0x80: {  	_ =	shalt  }
0x81: {  	_ =	shalt  }
0x82: {  	_ =	shalt  }
0x83: {  	_ =	shalt  }
0x84: {  	_ =	shalt  }
0x85: {  	_ =	shalt  }
0x86: {  	_ =	shalt  }
0x87: {  	_ =	shalt  }
.Lfunc_end0:
.L_simem_size_0:
called_computation_lowered:
.L_overlay_start_0:
0x88: {  	s2 =	sld [smem:$0x3FD9]  }
0x89: {  	s3 =	sld [smem:$0x3FFE];
	_ =	sdelay $0x1  }
0x8a: {  	s1 =	srdreg.scid  }
0x8b: {  	s0 =	sand.u32 $0x1, s1  }
0x8c: {  	s17 =	sshll.u32 s0, $0xA;
	s2 =	sadd.s32 s3, s2  }
0x8d: {  	s2 =	sadd.s32 s2, s17  }
0x8e: {  	[smem:$0x3FC3] =	sst s2  }
0x8f: {  	_ = 	snop  }
0x90: {  	s2 =	sld [smem:$0x3FD0];
	(tm) =	ssettm $0x1  }
0x91: {  	s18 =	sld [smem:$0x3FFB];
	_ =	sdelay $0x3  }
0x92: {  	_ =	strace s18  }
0x93: {  	s3 =	sld [smem:$0x3FFC];
	_ =	sdelay $0x3  }
0x94: {  	_ =	strace s3  }
0x95: {  	s3 =	sld [smem:$0x3FFD];
	_ =	sdelay $0x3  }
0x96: {  	_ =	strace s3  }
0x97: {  	_ =	strace $0x8FFFFFFF  }
0x98: {  	s19 =	sld [smem:$0x3FDB];
	_ =	sdelay $0x1  }
0x99: {  	s4 =	simm.s32 $_scs_section_size  }
0x9a: {  	s5 =	simm.s32 $_size__tile_overlayer_lowered;
	s6 =	simm.s32 $_tile_overlayer_lowered  }
0x9b: {  	s22 =	simm.s32 $0x1BFF;
	s21 =	sshll.u32 s6, $0x1;
	s3 =	sadd.s32 s4, s19  }
0x9c: {  	s7 =	simm.s32 $0x0;
	s20 =	sshll.u32 s5, $0x1;
	s5 =	sadd.s32 s21, s3  }
0x9d: {  	[timem:s7], [sflag:s22] =	dma.local [hbm:s5], s20  }
0x9e: {  	_ =	swait.ge [sflag:s22], s20  }
0x9f: {  	s4 =	ssub.s32 $0x0, s20;
	[sflag:s22] =	ssyncset.done $0x0  }
0xa0: {  	[sflag:s22] =	ssyncadd.s32 s4;
	_ =	sdelay $0x1  }
0xa1: {  	s23 =	simm.s32 $0x1B8B  }
0xa2: {  	_ =	swait.ge [sflag:s23], $0x1  }
0xa3: {  	[sflag:s23] =	ssyncset.done $0x0  }
0xa4: {  	s25 =	simm.s32 $0x1B8E;
	s24 =	sld [smem:$0x3FFE];
	[sflag:s23] =	ssyncadd.s32 $0xFFFFFFFF  }
0xa5: {  	s26 =	simm.s32 $execute0_lowered;
	[smem:$0x3FD2] =	sst s25  }
0xa6: {  	s5 =	sshll.u32 s26, $0x1;
	_ =	strace $0x80000046;
	[dreg:$0x1] =	wrdreg $0xFFFFFFFF  }
0xa7: {  	s28 =	simm.s32 $_size_execute0_lowered;
	s3 =	sadd.s32 s3, s5;
	[dreg:$0x0] =	wrdreg $0x0  }
0xa8: {  	s5 =	sshll.u32 s28, $0x1;
	[dreg:$0x2] =	wrdreg s3  }
0xa9: {  	[dreg:$0x3] =	wrdreg s5  }
0xaa: {  	[dreg:$0x4] =	wrdreg $0xC0  }
0xab: {  	_ =	task [dreg:s7], $0x5FFFF  }
0xac: {  	[dreg:$0x1] =	wrdreg $0xFFFFFFFF  }
0xad: {  	[dreg:$0x0] =	wrdreg $0x60  }
0xae: {  	[dreg:$0x2] =	wrdreg s2  }
0xaf: {  	[dreg:$0x3] =	wrdreg s24  }
0xb0: {  	[dreg:$0x4] =	wrdreg $0x80800  }
0xb1: {  	[dreg:$0x5] =	wrdreg $0x9  }
0xb2: {  	_ =	task.clear_ibuf [dreg:s7], $0x6FFFF;
	_ =	strace $0x90000046  }
0xb3: {  	s29 =	simm.s32 $0x9;
	_ =	strace $0x80000048  }
0xb4: {  	_ =	swait.ge [sflag:s29], $0x1  }
0xb5: {  	[sflag:s29] =	ssyncadd.s32 $0xFFFFFFFF  }
0xb6: {  	_ =	strace $0x90000048  }
0xb7: {  	_ =	sfence  }
0xb8: {  	s30 =	sld [smem:$0x0];
	_ =	sdelay $0x2  }
0xb9: {  	s31 =	sshll.u32 s1, $0xD;
	s1 =	sshrl.u32 s1, $0x2  }
0xba: {  	s3 =	sand.u32 $0x4000, s31;
	s1 =	sadd.s32 s1, s30  }
0xbb: {  	s0 =	sor.u32 s3, s0;
	s1 =	sshll.u32 s1, $0x11  }
0xbc: {  	s0 =	sor.u32 s1, s0  }
0xbd: {  	s0 =	sadd.s32 $0x8F2B, s0  }
0xbe: {  	[sflag:s0] =	ssyncadd.remote.s32 $0x1  }
0xbf: {  	_ =	sfence.sel $0xFFFF  }
0xc0: {  	[dreg:$0x0] =	wrdreg $0xFFFFFFFF;
	(pc) =	sbr.abs _section_cstart, $3  }
0xc1: {  	[dreg:$0x1] =	wrdreg $0xFFFFFFFF  }
0xc2: {  	_ =	task.clear_ibuf [dreg:s7], $0x2FFFF;
	_ =	strace $0x9FFFFFFF  }
0xc3: {  	(tm) =	ssettm $0x7FFFFFFF  }
tec
execute0_lowered:
.L_overlay_start_1:
0x0: {  	(tag) =	ssettag $0x1  }
0x1: {  	s6 =	rddreg [dreg:$0x0]  }
0x2: {  	s7 =	rddreg [dreg:$0x1]  }
0x3: {  	s1 =	rddreg [dreg:$0x2]  }
0x4: {  	s0 =	rddreg [dreg:$0x3]  }
0x5: {  	s3 =	simm.s32 $0x0;
	s2 =	stileid.u32;
	s8 =	srdreg.scid  }
0x6: {  	s15 =	simm.s32 $0x80;
	s16 =	simm.s32 $0x0;
	[smem:$0x7FF] =	sst s3  }
0x7: {  	s4 =	sadd.s32 $0x2200, s7;
	s5 =	sadd.s32 $0x2000, s7;
	s8 =	sand.u32 $0x1, s8  }
0x8: {  	s9 =	sshll.u32 s2, $0xC;
	s10 =	sshll.u32 s2, $0xE;
	s12 =	sshll.u32 s2, $0x7  }
0x9: {  	s31 =	sshll.u32 s2, $0x6;
	_ =	strace $0x80000047;
	p0 =	seq.s32 s8, $0x0  }
0xa: {  	s11 =	sor.u32 $0x40000, s9;
	s13 =	ssub.s32 $0x2, s8;
	s28 =	sadd.s32 s12, s7  }
0xb: {  	s8 =	sshll.u32 s8, $0xB;
	s9 =	sshrl.u32 s9, $0x2;
	s7 =	simm.s32 $0x400  }
0xc: {  	s12 =	simm.s32 $0x8000;
	s11 =	smov.u32 @p0 s10;
	s29 =	sshrl.u32 s13, $0x1  }
0xd: {  	s8 =	sadd.s32 s8, s28;
	s14 =	sadd.s32 s9, s1;
	s7 =	simm.s32 @!p0 $0x100  }
0xe: {  	s10 =	simm.s32 $0x1;
	s11 =	sshrl.u32 s11, $0x3;
	s30 =	ssub.s32 s13, s29  }
0xf: {  	s8 =	sadd.s32 $0x2A00, s8;
	s13 =	sor.u32 $0x1C01, s31;
	s14 =	sshrl.u32 s14, $0x3  }
0x10: {  	v0 =	vimm.f32 $1.000000000e+00;
	s6 =	sadd.s32 s6, s11;
	s9 =	smax.u32 s30, $0x1;
	s11 =	simm.s32 $0x4000  }
.LBB2_1:
0x11: {  	[tilespmem:s3], [sflag:$0x1] =	stream.linear.gather [hbm4b:s6+s3], $0x4000, $0x38;
	[tilespmem:$0x8480] =	vst v63  }
0x12: {  	_ =	swait.ge [sflag:s10], $0x4000  }
0x13: {  	[sflag:s10] =	ssyncset.done $0x0  }
0x14: {  	[sflag:s10] =	ssyncadd.s32 $0xFFFFC000  }
0x15: {  	[tilespmem:s11], [sflag:$0x1] =	stream.linear.gather [hbm4b:s4+s3], $0x4000, $0x38;
	[tilespmem:$0x8480] =	vst v63  }
0x16: {  	_ =	swait.ge [sflag:s10], $0x4000  }
0x17: {  	[sflag:s10] =	ssyncset.done $0x0  }
0x18: {  	[sflag:s10] =	ssyncadd.s32 $0xFFFFC000  }
0x19: {  	[tilespmem:s12], [sflag:$0x1] =	stream.linear.gather [hbm4b:s5+s3], $0x80, $0x38;
	[tilespmem:$0x8480] =	vst v63  }
0x1a: {  	_ =	swait.ge [sflag:s10], $0x80  }
0x1b: {  	[sflag:s10] =	ssyncset.done $0x0  }
0x1c: {  	p0 =	sne.s32 s7, $0x1;
	[sflag:s10] =	ssyncadd.s32 $0xFFFFFF80  }
0x1d: {  	[spmem:s14], [sflag:s13] =	dma.local [hbm:s4], $0x80  }
.Ltmp0:
0x1e: {  	_ = 	snop;
	(pc) =	sbr.rel @!p0 .LBB2_3-.Ltmp0, $4  }
0x1f: {  	_ =	swait.ge [sflag:s10], $0x80  }
0x20: {  	[sflag:s10] =	ssyncset.done $0x0  }
0x21: {  	[sflag:s10] =	ssyncadd.s32 $0xFFFFFF80  }
0x22: {  	s17 =	sadd.s32 $0xFFFFFFFF, s7;
	s18 =	simm.s32 $0x0;
	v1 =	vld [tilespmem:s3+$0x0]  }
.LBB2_2:
0x23: {  	p0 =	sne.s32 s17, $0x1;
	_ =	sdelay $0x3  }
.Ltmp1:
0x24: {  	(pc) =	sbr.rel @p0 .LBB2_2-.Ltmp1, $3  }
0x25: {  	_ =	sdelay $0x1  }
0x26: {  	s18 =	sadd.s32 $0x10, s18;
	[tilespmem:v1+s11+$0x0] =	vst.idx.add.f32.msk $0xffff, v0  }
0x27: {  	s17 =	sadd.s32 $0xFFFFFFFF, s17;
	v1 =	vld [tilespmem:s18+$0x0]  }
.LBB2_3:
0x28: {  	_ =	sdelay $0x7  }
0x29: {  	[tilespmem:v1+s11+$0x0] =	vst.idx.add.f32.msk $0xffff, v0  }
0x2a: {  	[bflag:$0x0] =	sbarrier.arrive $0xFFFF  }
0x2b: {  	[spmem:s1] =	stream.indirect.scatter.add.f32 [tilespmem:s11], [sflag:$0x1], $0x80, s12, s15, $0xb8;
	[tilespmem:$0x8480] =	vst v63  }
0x2c: {  	_ =	swait.ge [sflag:s10], $0x4000  }
0x2d: {  	s16 =	sadd.s32 $0x1, s16;
	[sflag:s10] =	ssyncset.done $0x0  }
0x2e: {  	p0 =	sne.s32 s16, s9;
	[sflag:s10] =	ssyncadd.s32 $0xFFFFC000  }
.Ltmp2:
0x2f: {  	[bflag:$0x0] =	sbarrier.arrive $0xFFFF;
	(pc) =	sbr.rel @p0 .LBB2_1-.Ltmp2, $4  }
0x30: {  	[hbm:s8], [sflag:s13] =	dma.local [spmem:s14], $0x80  }
0x31: {  	_ =	swait.ge [sflag:s10], $0x80  }
0x32: {  	[sflag:s10] =	ssyncset.done $0x0  }
0x33: {  	[sflag:s10] =	ssyncadd.s32 $0xFFFFFF80  }
0x34: {  	_ =	sfence.sel $0x180000  }
0x35: {  	[bflag:$0x0] =	sbarrier.arrive $0xFFFF  }
0x36: {  	p0 =	sne.s32 s2, $0x0;
	_ =	strace $0x90000047  }
0x37: {  	s0 =	sadd.s32 @!p0 $0x100000, s0;
	[bflag:$0x2] =	sbarrier.arrive $0xFFFF  }
0x38: {  	[sflag:s0] =	ssyncadd.tile.s32 @!p0 $0x1;
	_ =	shalt  }
.Lfunc_end2:
_tile_overlayer_lowered:
.L_overlay_start_2:
0x39: {  	(tag) =	ssettag $0x2  }
0x3a: {  	s0 =	rddreg [dreg:$0x0];
	s2 =	stileid.u32  }
0x3b: {  	s1 =	rddreg [dreg:$0x1];
	p0 =	sne.s32 s2, $0x0  }
0x3c: {  	s3 =	rddreg [dreg:$0x2];
	[bflag:$0x3] =	sbarrier.arrive $0xFFFF;
	s2 =	simm.s32 @!p0 $0x1C01  }
0x3d: {  	[timem:s3], [sflag:s2] =	dma.local @!p0 [hbm:s0], s1  }
0x3e: {  	s0 =	simm.s32 @!p0 $0x1  }
0x3f: {  	_ =	swait.ge @!p0 [sflag:s0], s1  }
0x40: {  	s1 =	ssub.s32 @!p0 $0x0, s1;
	[sflag:s0] =	ssyncset.done @!p0 $0x0  }
0x41: {  	[sflag:s0] =	ssyncadd.s32 @!p0 s1  }
0x42: {  	[bflag:$0x3] =	sbarrier.arrive $0xFFFF  }
0x43: {  	_ =	shalt  }

// kernel: kernel.9.cloned.1.call-start
scs
__scs_entry_jumppad:
0x0: {  	(pc) =	sbr.rel $0x88, $3  }
0x1: {  	(tag) =	ssettag $0x0;
	lr =	simm.s32 $0x1  }
0x2: {  	[smem:$0x3F9C] =	sst lr;
	_ =	strace $0xD0000000  }
0x3: {  	_ = 	snop  }
0x4: {  	_ = 	snop  }
0x5: {  	_ = 	snop  }
0x6: {  	_ = 	snop  }
0x7: {  	_ = 	snop  }
__scs_overlays_trampoline_lowered:
0x8: {  	[smem:$0x3FAB] =	sst s0  }
0x9: {  	[smem:$0x3FAC] =	sst s1  }
0xa: {  	[smem:$0x3FAD] =	sst s2  }
0xb: {  	[smem:$0x3FAE] =	sst s3  }
0xc: {  	[smem:$0x3FAF] =	sst s4  }
0xd: {  	[smem:$0x3FB0] =	sst s5  }
0xe: {  	[smem:$0x3FB1] =	sst s6  }
0xf: {  	[smem:$0x3FB2] =	sst s7  }
0x10: {  	[smem:$0x3FB3] =	sst s8  }
0x11: {  	[smem:$0x3FB4] =	sst s9;
	s0 =	simm.s32 @!p0 $0x0  }
0x12: {  	s1 =	sld [smem:$0x3F9A];
	s0 =	simm.s32 @p0 $0x1  }
0x13: {  	[smem:$0x3FB5] =	sst s0;
	s0 =	simm.s32 @!p1 $0x0  }
0x14: {  	s2 =	sld [smem:$0x3F99];
	s0 =	simm.s32 @p1 $0x1  }
0x15: {  	[smem:$0x3FB6] =	sst s0;
	s0 =	simm.s32 @!p2 $0x0  }
0x16: {  	s3 =	sld [smem:$0x3FDB];
	s0 =	simm.s32 @p2 $0x1  }
0x17: {  	s4 =	simm.s32 $0x1BF5;
	[smem:$0x3FB8] =	sst s0  }
0x18: {  	s0 =	sld [smem:$0x3F9B];
	_ =	swait.ge [sflag:s4], $0x0  }
0x19: {  	s7 =	sld [smem:$0x3F9C]  }
0x1a: {  	s8 =	sadd.s32 $0xFFFFE003, lr  }
0x1b: {  	s9 =	sadd.s32 $0xFFFFFEF7, lr;
	s5 =	simm.s32 $0xFFFFFFFF;
	p2 =	slt.u32 s8, $0xFFFFF086  }
0x1c: {  	p1 =	slt.u32 s9, $0xF7A;
	s5 =	simm.s32 @!p2 $0x0  }
0x1d: {  	s5 =	simm.s32 @p1 $0x1;
	p0 =	seq.s32 s7, s2  }
0x1e: {  	s7 =	smul.u32 @!p0 $0xF7A, s2;
	p2 =	seq.s32 @!p0 s5, $0x0  }
0x1f: {  	s9 =	smul.u32 $0xF7A, s1;
	s8 =	simm.s32 @!p0 $0x1BF5;
	p2 =	por !p2, p0  }
0x20: {  	[sflag:s8] =	ssyncset.s32 @!p0 $0xFFFFF086;
	s6 =	sadd.s32 @!p0 s3, s7;
	s7 =	simm.s32 @!p0 $0x108  }
0x21: {  	s3 =	sadd.s32 s3, s9;
	s6 =	sadd.s32 @!p0 $0x88, s6;
	s7 =	simm.s32 @p2 $0x1082  }
0x22: {  	[simem:s7], [sflag:s8] =	dma.local @!p0 [hbm:s6], $0xF7A  }
0x23: {  	s9 =	sor.u32 $0xD0000000, s2;
	s6 =	simm.s32 $0x108;
	_ =	swait.ge @!p0 [sflag:s8], $0x0  }
0x24: {  	s3 =	sadd.s32 $0x88, s3;
	s6 =	simm.s32 @!p1 $0x1082;
	[sflag:s4] =	ssyncset.s32 $0xFFFFF086  }
0x25: {  	[simem:s6], [sflag:s4] =	dma.local [hbm:s3], $0xF7A  }
0x26: {  	[smem:$0x3F9C] =	sst s1;
	(tag) =	ssettag s2;
	_ =	strace s9  }
0x27: {  	s1 =	sld [smem:$0x3FAC]  }
0x28: {  	s2 =	sld [smem:$0x3FAD]  }
0x29: {  	s4 =	sld [smem:$0x3FAF]  }
0x2a: {  	p0 =	seq.s32 s5, $0x0;
	s5 =	sld [smem:$0x3FB0]  }
0x2b: {  	s6 =	sld [smem:$0x3FB1]  }
0x2c: {  	s7 =	sld [smem:$0x3FB2]  }
0x2d: {  	s3 =	simm.s32 $0x108;
	s8 =	sld [smem:$0x3FB3]  }
0x2e: {  	s3 =	simm.s32 @!p0 $0x1082;
	s9 =	sld [smem:$0x3FB4]  }
0x2f: {  	lr =	sadd.s32 s0, s3;
	s0 =	sld [smem:$0x3FAB]  }
0x30: {  	s3 =	sld [smem:$0x3FAE]  }
0x31: {  	[smem:$0x3FB7] =	sst s10  }
0x32: {  	s10 =	sld [smem:$0x3FB5];
	_ =	sdelay $0x3  }
0x33: {  	p0 =	seq.s32 s10, $0x1;
	s10 =	sld [smem:$0x3FB7];
	_ =	sdelay $0x3  }
0x34: {  	[smem:$0x3FB7] =	sst s10  }
0x35: {  	s10 =	sld [smem:$0x3FB6];
	_ =	sdelay $0x3  }
0x36: {  	p1 =	seq.s32 s10, $0x1;
	s10 =	sld [smem:$0x3FB7];
	_ =	sdelay $0x3  }
0x37: {  	[smem:$0x3FB7] =	sst s10  }
0x38: {  	s10 =	sld [smem:$0x3FB8]  }
0x39: {  	_ = 	snop;
	(pc) =	sbr.ind lr, $3  }
0x3a: {  	_ = 	snop  }
0x3b: {  	_ = 	snop  }
0x3c: {  	p2 =	seq.s32 s10, $0x1;
	s10 =	sld [smem:$0x3FB7]  }
0x3d: {  	_ =	shalt  }
0x3e: {  	_ =	shalt  }
0x3f: {  	_ =	shalt  }
0x40: {  	_ =	shalt  }
0x41: {  	_ =	shalt  }
0x42: {  	_ =	shalt  }
0x43: {  	_ =	shalt  }
0x44: {  	_ =	shalt  }
0x45: {  	_ =	shalt  }
0x46: {  	_ =	shalt  }
0x47: {  	_ =	shalt  }
0x48: {  	_ =	shalt  }
0x49: {  	_ =	shalt  }
0x4a: {  	_ =	shalt  }
0x4b: {  	_ =	shalt  }
0x4c: {  	_ =	shalt  }
0x4d: {  	_ =	shalt  }
0x4e: {  	_ =	shalt  }
0x4f: {  	_ =	shalt  }
0x50: {  	_ =	shalt  }
0x51: {  	_ =	shalt  }
0x52: {  	_ =	shalt  }
0x53: {  	_ =	shalt  }
0x54: {  	_ =	shalt  }
0x55: {  	_ =	shalt  }
0x56: {  	_ =	shalt  }
0x57: {  	_ =	shalt  }
0x58: {  	_ =	shalt  }
0x59: {  	_ =	shalt  }
0x5a: {  	_ =	shalt  }
0x5b: {  	_ =	shalt  }
0x5c: {  	_ =	shalt  }
0x5d: {  	_ =	shalt  }
0x5e: {  	_ =	shalt  }
0x5f: {  	_ =	shalt  }
0x60: {  	_ =	shalt  }
0x61: {  	_ =	shalt  }
0x62: {  	_ =	shalt  }
0x63: {  	_ =	shalt  }
0x64: {  	_ =	shalt  }
0x65: {  	_ =	shalt  }
0x66: {  	_ =	shalt  }
0x67: {  	_ =	shalt  }
0x68: {  	_ =	shalt  }
0x69: {  	_ =	shalt  }
0x6a: {  	_ =	shalt  }
0x6b: {  	_ =	shalt  }
0x6c: {  	_ =	shalt  }
0x6d: {  	_ =	shalt  }
0x6e: {  	_ =	shalt  }
0x6f: {  	_ =	shalt  }
0x70: {  	_ =	shalt  }
0x71: {  	_ =	shalt  }
0x72: {  	_ =	shalt  }
0x73: {  	_ =	shalt  }
0x74: {  	_ =	shalt  }
0x75: {  	_ =	shalt  }
0x76: {  	_ =	shalt  }
0x77: {  	_ =	shalt  }
0x78: {  	_ =	shalt  }
0x79: {  	_ =	shalt  }
0x7a: {  	_ =	shalt  }
0x7b: {  	_ =	shalt  }
0x7c: {  	_ =	shalt  }
0x7d: {  	_ =	shalt  }
0x7e: {  	_ =	shalt  }
0x7f: {  	_ =	shalt  }
0x80: {  	_ =	shalt  }
0x81: {  	_ =	shalt  }
0x82: {  	_ =	shalt  }
0x83: {  	_ =	shalt  }
0x84: {  	_ =	shalt  }
0x85: {  	_ =	shalt  }
0x86: {  	_ =	shalt  }
0x87: {  	_ =	shalt  }
.Lfunc_end0:
.L_simem_size_0:
called_computation.1_lowered:
.L_overlay_start_0:
0x88: {  	s0 =	sld [smem:$0x3FD9]  }
0x89: {  	s1 =	sld [smem:$0x3FFE];
	_ =	sdelay $0x3  }
0x8a: {  	s0 =	sadd.s32 s1, s0  }
0x8b: {  	[smem:$0x3FC3] =	sst s0  }
0x8c: {  	_ = 	snop  }
0x8d: {  	s0 =	sld [smem:$0x3FD0];
	(tm) =	ssettm $0x1  }
0x8e: {  	s16 =	sld [smem:$0x3FFB];
	_ =	sdelay $0x3  }
0x8f: {  	_ =	strace s16  }
0x90: {  	s1 =	sld [smem:$0x3FFC];
	_ =	sdelay $0x3  }
0x91: {  	_ =	strace s1  }
0x92: {  	s1 =	sld [smem:$0x3FFD];
	_ =	sdelay $0x3  }
0x93: {  	_ =	strace s1  }
0x94: {  	_ =	strace $0x8FFFFFFF  }
0x95: {  	s17 =	sld [smem:$0x3FDB];
	_ =	sdelay $0x1  }
0x96: {  	s2 =	simm.s32 $_scs_section_size  }
0x97: {  	s3 =	simm.s32 $_size__tile_overlayer_lowered;
	s4 =	simm.s32 $_tile_overlayer_lowered  }
0x98: {  	s20 =	simm.s32 $0x1BFF;
	s19 =	sshll.u32 s4, $0x1;
	s1 =	sadd.s32 s2, s17  }
0x99: {  	s5 =	simm.s32 $0x0;
	s18 =	sshll.u32 s3, $0x1;
	s3 =	sadd.s32 s19, s1  }
0x9a: {  	[timem:s5], [sflag:s20] =	dma.local [hbm:s3], s18  }
0x9b: {  	_ =	swait.ge [sflag:s20], s18  }
0x9c: {  	s2 =	ssub.s32 $0x0, s18;
	[sflag:s20] =	ssyncset.done $0x0  }
0x9d: {  	[sflag:s20] =	ssyncadd.s32 s2;
	_ =	sdelay $0x1  }
0x9e: {  	s21 =	simm.s32 $0x1B8B  }
0x9f: {  	_ =	swait.ge [sflag:s21], $0x1  }
0xa0: {  	[sflag:s21] =	ssyncset.done $0x0  }
0xa1: {  	s23 =	simm.s32 $0x1B8E;
	s22 =	sld [smem:$0x3FFE];
	[sflag:s21] =	ssyncadd.s32 $0xFFFFFFFF  }
0xa2: {  	s24 =	simm.s32 $execute0_lowered;
	[smem:$0x3FD2] =	sst s23  }
0xa3: {  	s3 =	sshll.u32 s24, $0x1;
	_ =	strace $0x80000049;
	[dreg:$0x1] =	wrdreg $0xFFFFFFFF  }
0xa4: {  	s25 =	simm.s32 $_size_execute0_lowered;
	s1 =	sadd.s32 s1, s3;
	[dreg:$0x0] =	wrdreg $0x0  }
0xa5: {  	s3 =	sshll.u32 s25, $0x1;
	[dreg:$0x2] =	wrdreg s1  }
0xa6: {  	[dreg:$0x3] =	wrdreg s3  }
0xa7: {  	[dreg:$0x4] =	wrdreg $0xC0  }
0xa8: {  	_ =	task [dreg:s5], $0x5FFFF  }
0xa9: {  	[dreg:$0x1] =	wrdreg $0xFFFFFFFF  }
0xaa: {  	[dreg:$0x0] =	wrdreg $0x60  }
0xab: {  	[dreg:$0x2] =	wrdreg s22  }
0xac: {  	[dreg:$0x3] =	wrdreg s0  }
0xad: {  	[dreg:$0x4] =	wrdreg $0x90000  }
0xae: {  	[dreg:$0x5] =	wrdreg $0x9  }
0xaf: {  	_ =	task.clear_ibuf [dreg:s5], $0x6FFFF;
	_ =	strace $0x90000049  }
0xb0: {  	s26 =	simm.s32 $0x9;
	_ =	strace $0x8000004B  }
0xb1: {  	_ =	swait.ge [sflag:s26], $0x1  }
0xb2: {  	[sflag:s26] =	ssyncadd.s32 $0xFFFFFFFF  }
0xb3: {  	_ =	strace $0x9000004B  }
0xb4: {  	_ =	sfence  }
0xb5: {  	s28 =	sld [smem:$0x0];
	_ =	sdelay $0x1  }
0xb6: {  	s29 =	srdreg.scid  }
0xb7: {  	s30 =	sshll.u32 s29, $0xD;
	s31 =	sshrl.u32 s29, $0x2  }
0xb8: {  	s2 =	sand.u32 $0x4000, s30;
	s1 =	sand.u32 $0x1, s29;
	s0 =	sadd.s32 s31, s28  }
0xb9: {  	s1 =	sor.u32 s2, s1;
	s0 =	sshll.u32 s0, $0x11  }
0xba: {  	s0 =	sor.u32 s0, s1  }
0xbb: {  	s0 =	sadd.s32 $0x8F2B, s0  }
0xbc: {  	[sflag:s0] =	ssyncadd.remote.s32 $0x1  }
0xbd: {  	_ =	sfence.sel $0xFFFF  }
0xbe: {  	[dreg:$0x0] =	wrdreg $0xFFFFFFFF;
	(pc) =	sbr.abs _section_cstart, $3  }
0xbf: {  	[dreg:$0x1] =	wrdreg $0xFFFFFFFF  }
0xc0: {  	_ =	task.clear_ibuf [dreg:s5], $0x2FFFF;
	_ =	strace $0x9FFFFFFF  }
0xc1: {  	(tm) =	ssettm $0x7FFFFFFF  }
tec
execute0_lowered:
.L_overlay_start_1:
0x0: {  	(tag) =	ssettag $0x1  }
0x1: {  	s23 =	rddreg [dreg:$0x0]  }
0x2: {  	s11 =	rddreg [dreg:$0x1]  }
0x3: {  	s3 =	rddreg [dreg:$0x2];
	s1 =	stileid.u32  }
0x4: {  	s0 =	rddreg [dreg:$0x3];
	s2 =	simm.s32 $0x0;
	s5 =	smul.u32 $0xA00, s1  }
0x5: {  	[smem:$0x7FF] =	sst s2;
	s7 =	smul.u32 $0x50000, s1  }
0x6: {  	s4 =	sadd.s32 $0x3A00, s23;
	s6 =	sadd.s32 $0xDA00, s23;
	s12 =	smul.u32 $0x14, s1  }
0x7: {  	s13 =	sshll.u32 s1, $0x6;
	_ =	strace $0x8000004A;
	s8 =	sadd.s32 s4, s5  }
0x8: {  	s9 =	sadd.s32 s6, s5;
	s5 =	sor.u32 $0x80, s5;
	s7 =	sshrl.u32 s7, $0x2  }
0x9: {  	[tilespmem:s2], [sflag:$0x3] =	stream.linear.gather [hbm4b:s8+s2], $0x400, $0x38;
	[tilespmem:$0x1D000] =	vst v63  }
0xa: {  	s14 =	sor.u32 $0x2, s12;
	s12 =	sor.u32 $0x3, s12;
	s8 =	simm.s32 $0x800  }
0xb: {  	[tilespmem:s8], [sflag:$0x3] =	stream.linear.gather [hbm4b:s9+s2], $0x400, $0x38;
	[tilespmem:$0x1D000] =	vst v63  }
0xc: {  	s10 =	sadd.s32 s4, s5;
	s5 =	sadd.s32 s6, s5;
	s9 =	simm.s32 $0x400  }
0xd: {  	[tilespmem:s9], [sflag:$0x4] =	stream.linear.gather [hbm4b:s10+s2], $0x400, $0x38;
	[tilespmem:$0x1D000] =	vst v63  }
0xe: {  	s7 =	sadd.s32 s7, s3;
	[dreg:$0x4] =	wrdreg s14;
	s10 =	simm.s32 $0xC00  }
0xf: {  	[tilespmem:s10], [sflag:$0x4] =	stream.linear.gather [hbm4b:s5+s2], $0x400, $0x38;
	[tilespmem:$0x1D000] =	vst v63  }
0x10: {  	[dreg:$0x5] =	wrdreg s12;
	s7 =	sshrl.u32 s7, $0x3;
	s5 =	sor.u32 $0x1C05, s13  }
0x11: {  	[spmem:s7], [sflag:s5] =	dma.local [hbm:s11], $0x2800  }
0x12: {  	s11 =	simm.s32 $0x5  }
0x13: {  	_ =	swait.ge [sflag:s11], $0x2800  }
0x14: {  	[sflag:s11] =	ssyncset.done $0x0  }
0x15: {  	[sflag:s11] =	ssyncadd.s32 $0xFFFFD800  }
0x16: {  	s12 =	simm.s32 $0x3;
	[bflag:$0x0] =	sbarrier.arrive $0xFFFF  }
0x17: {  	_ =	swait.ge [sflag:s12], $0x400  }
0x18: {  	[sflag:s12] =	ssyncset.done $0x0  }
0x19: {  	s17 =	simm.s32 $0x100;
	[sflag:s12] =	ssyncadd.s32 $0xFFFFFC00  }
0x1a: {  	s22 =	simm.s32 $0x880;
	_ =	swait.ge [sflag:s12], $0x400;
	[dreg:$0x6] =	wrdreg s17  }
0x1b: {  	s24 =	simm.s32 $0x180;
	[dreg:$0x7] =	wrdreg s22  }
0x1c: {  	s25 =	simm.s32 $0x900;
	[dreg:$0x8] =	wrdreg s24  }
0x1d: {  	s26 =	simm.s32 $0x200;
	[dreg:$0x9] =	wrdreg s25  }
0x1e: {  	s30 =	simm.s32 $0x980;
	[dreg:$0xa] =	wrdreg s26  }
0x1f: {  	s31 =	simm.s32 $0x280;
	[dreg:$0xb] =	wrdreg s30  }
0x20: {  	s18 =	simm.s32 $0xA00;
	[dreg:$0xc] =	wrdreg s31  }
0x21: {  	s19 =	simm.s32 $0x300;
	[dreg:$0xd] =	wrdreg s18  }
0x22: {  	s20 =	simm.s32 $0xA80;
	[dreg:$0xe] =	wrdreg s19  }
0x23: {  	s21 =	simm.s32 $0x380;
	[dreg:$0xf] =	wrdreg s20  }
0x24: {  	[dreg:$0x10] =	wrdreg s21;
	s22 =	simm.s32 $0xB00  }
0x25: {  	s24 =	simm.s32 $0xB80;
	[dreg:$0x11] =	wrdreg s22  }
0x26: {  	s25 =	simm.s32 $0x480;
	[dreg:$0x12] =	wrdreg s24  }
0x27: {  	s26 =	simm.s32 $0x500;
	[dreg:$0x13] =	wrdreg s25  }
0x28: {  	s30 =	simm.s32 $0xC80;
	[dreg:$0x14] =	wrdreg s26  }
0x29: {  	s31 =	simm.s32 $0x580;
	[dreg:$0x15] =	wrdreg s30  }
0x2a: {  	s15 =	simm.s32 $0x1000;
	s18 =	simm.s32 $0xD00;
	[dreg:$0x16] =	wrdreg s31  }
0x2b: {  	s14 =	simm.s32 $0x80;
	s19 =	simm.s32 $0x600;
	[dreg:$0x17] =	wrdreg s18  }
0x2c: {  	s13 =	sadd.s32 $0x17A00, s23;
	s20 =	simm.s32 $0xD80;
	[dreg:$0x18] =	wrdreg s19  }
0x2d: {  	s21 =	simm.s32 $0x680;
	[sflag:s12] =	ssyncset.done $0x0;
	[dreg:$0x19] =	wrdreg s20  }
0x2e: {  	[dreg:$0x1a] =	wrdreg s21;
	s18 =	simm.s32 $0xE00;
	[sflag:s12] =	ssyncadd.s32 $0xFFFFFC00  }
0x2f: {  	[tilespmem:s15], [sflag:$0x1] =	stream.indirect.gather [hbm4b:s13+s14], $0x80, s2, s14, $0xb8;
	[tilespmem:$0x1D000] =	vst v63  }
0x30: {  	s16 =	simm.s32 $0x5000;
	s17 =	simm.s32 $0x1;
	[dreg:$0x1b] =	wrdreg s18  }
0x31: {  	[tilespmem:s16], [sflag:$0x2] =	stream.indirect.gather [hbm4b:s13+s14], $0x80, s14, s14, $0xb8;
	[tilespmem:$0x1D000] =	vst v63  }
0x32: {  	_ =	swait.ge [sflag:s17], $0x4000  }
0x33: {  	[sflag:s17] =	ssyncset.done $0x0  }
0x34: {  	[sflag:s17] =	ssyncadd.s32 $0xFFFFC000  }
0x35: {  	[spmem:s3] =	stream.indirect.scatter.add.f32 [tilespmem:s15], [sflag:$0x5], $0x80, s8, s14, $0xb8;
	[tilespmem:$0x1D000] =	vst v63  }
0x36: {  	_ =	swait.ge [sflag:s11], $0x4000  }
0x37: {  	[sflag:s11] =	ssyncset.done $0x0  }
0x38: {  	s18 =	simm.s32 $0x2;
	s19 =	rddreg [dreg:$0x6];
	[sflag:s11] =	ssyncadd.s32 $0xFFFFC000  }
0x39: {  	[tilespmem:s15], [sflag:$0x1] =	stream.indirect.gather [hbm4b:s13+s14], $0x80, s19, s14, $0xb8;
	[tilespmem:$0x1D000] =	vst v63  }
0x3a: {  	_ =	swait.ge [sflag:s18], $0x4000  }
0x3b: {  	[sflag:s18] =	ssyncset.done $0x0  }
0x3c: {  	s22 =	rddreg [dreg:$0x7];
	[sflag:s18] =	ssyncadd.s32 $0xFFFFC000  }
0x3d: {  	[spmem:s3] =	stream.indirect.scatter.add.f32 [tilespmem:s16], [sflag:$0x5], $0x80, s22, s14, $0xb8;
	[tilespmem:$0x1D000] =	vst v63  }
0x3e: {  	_ =	swait.ge [sflag:s11], $0x4000  }
0x3f: {  	[sflag:s11] =	ssyncset.done $0x0  }
0x40: {  	s24 =	rddreg [dreg:$0x8];
	[sflag:s11] =	ssyncadd.s32 $0xFFFFC000  }
0x41: {  	[tilespmem:s16], [sflag:$0x2] =	stream.indirect.gather [hbm4b:s13+s14], $0x80, s24, s14, $0xb8;
	[tilespmem:$0x1D000] =	vst v63  }
0x42: {  	_ =	swait.ge [sflag:s17], $0x4000  }
0x43: {  	[sflag:s17] =	ssyncset.done $0x0  }
0x44: {  	s25 =	rddreg [dreg:$0x9];
	[sflag:s17] =	ssyncadd.s32 $0xFFFFC000  }
0x45: {  	[spmem:s3] =	stream.indirect.scatter.add.f32 [tilespmem:s15], [sflag:$0x5], $0x80, s25, s14, $0xb8;
	[tilespmem:$0x1D000] =	vst v63  }
0x46: {  	_ =	swait.ge [sflag:s11], $0x4000  }
0x47: {  	[sflag:s11] =	ssyncset.done $0x0  }
0x48: {  	s26 =	rddreg [dreg:$0xa];
	[sflag:s11] =	ssyncadd.s32 $0xFFFFC000  }
0x49: {  	[tilespmem:s15], [sflag:$0x1] =	stream.indirect.gather [hbm4b:s13+s14], $0x80, s26, s14, $0xb8;
	[tilespmem:$0x1D000] =	vst v63  }
0x4a: {  	_ =	swait.ge [sflag:s18], $0x4000  }
0x4b: {  	[sflag:s18] =	ssyncset.done $0x0  }
0x4c: {  	s30 =	rddreg [dreg:$0xb];
	[sflag:s18] =	ssyncadd.s32 $0xFFFFC000  }
0x4d: {  	[spmem:s3] =	stream.indirect.scatter.add.f32 [tilespmem:s16], [sflag:$0x5], $0x80, s30, s14, $0xb8;
	[tilespmem:$0x1D000] =	vst v63  }
0x4e: {  	_ =	swait.ge [sflag:s11], $0x4000  }
0x4f: {  	[sflag:s11] =	ssyncset.done $0x0  }
0x50: {  	s31 =	rddreg [dreg:$0xc];
	[sflag:s11] =	ssyncadd.s32 $0xFFFFC000  }
0x51: {  	[tilespmem:s16], [sflag:$0x2] =	stream.indirect.gather [hbm4b:s13+s14], $0x80, s31, s14, $0xb8;
	[tilespmem:$0x1D000] =	vst v63  }
0x52: {  	_ =	swait.ge [sflag:s17], $0x4000  }
0x53: {  	[sflag:s17] =	ssyncset.done $0x0  }
0x54: {  	s20 =	rddreg [dreg:$0xd];
	[sflag:s17] =	ssyncadd.s32 $0xFFFFC000  }
0x55: {  	[spmem:s3] =	stream.indirect.scatter.add.f32 [tilespmem:s15], [sflag:$0x5], $0x80, s20, s14, $0xb8;
	[tilespmem:$0x1D000] =	vst v63  }
0x56: {  	_ =	swait.ge [sflag:s11], $0x4000  }
0x57: {  	[sflag:s11] =	ssyncset.done $0x0  }
0x58: {  	s21 =	rddreg [dreg:$0xe];
	[sflag:s11] =	ssyncadd.s32 $0xFFFFC000  }
0x59: {  	[tilespmem:s15], [sflag:$0x1] =	stream.indirect.gather [hbm4b:s13+s14], $0x80, s21, s14, $0xb8;
	[tilespmem:$0x1D000] =	vst v63  }
0x5a: {  	_ =	swait.ge [sflag:s18], $0x4000  }
0x5b: {  	[sflag:s18] =	ssyncset.done $0x0  }
0x5c: {  	s22 =	rddreg [dreg:$0xf];
	[sflag:s18] =	ssyncadd.s32 $0xFFFFC000  }
0x5d: {  	[spmem:s3] =	stream.indirect.scatter.add.f32 [tilespmem:s16], [sflag:$0x5], $0x80, s22, s14, $0xb8;
	[tilespmem:$0x1D000] =	vst v63  }
0x5e: {  	_ =	swait.ge [sflag:s11], $0x4000  }
0x5f: {  	[sflag:s11] =	ssyncset.done $0x0  }
0x60: {  	s19 =	simm.s32 $0x4;
	[sflag:s11] =	ssyncadd.s32 $0xFFFFC000  }
0x61: {  	_ =	swait.ge [sflag:s19], $0x400  }
0x62: {  	[sflag:s19] =	ssyncset.done $0x0  }
0x63: {  	[sflag:s19] =	ssyncadd.s32 $0xFFFFFC00  }
0x64: {  	_ =	swait.ge [sflag:s19], $0x400  }
0x65: {  	[sflag:s19] =	ssyncset.done $0x0  }
0x66: {  	s20 =	rddreg [dreg:$0x10];
	[sflag:s19] =	ssyncadd.s32 $0xFFFFFC00  }
0x67: {  	[tilespmem:s16], [sflag:$0x2] =	stream.indirect.gather [hbm4b:s13+s14], $0x80, s20, s14, $0xb8;
	[tilespmem:$0x1D000] =	vst v63  }
0x68: {  	_ =	swait.ge [sflag:s17], $0x4000  }
0x69: {  	[sflag:s17] =	ssyncset.done $0x0  }
0x6a: {  	s24 =	rddreg [dreg:$0x11];
	[sflag:s17] =	ssyncadd.s32 $0xFFFFC000  }
0x6b: {  	[spmem:s3] =	stream.indirect.scatter.add.f32 [tilespmem:s15], [sflag:$0x5], $0x80, s24, s14, $0xb8;
	[tilespmem:$0x1D000] =	vst v63  }
0x6c: {  	_ =	swait.ge [sflag:s11], $0x4000  }
0x6d: {  	[sflag:s11] =	ssyncset.done $0x0  }
0x6e: {  	[sflag:s11] =	ssyncadd.s32 $0xFFFFC000  }
0x6f: {  	[tilespmem:s15], [sflag:$0x1] =	stream.indirect.gather [hbm4b:s13+s14], $0x80, s9, s14, $0xb8;
	[tilespmem:$0x1D000] =	vst v63  }
0x70: {  	_ =	swait.ge [sflag:s18], $0x4000  }
0x71: {  	[sflag:s18] =	ssyncset.done $0x0  }
0x72: {  	s25 =	rddreg [dreg:$0x12];
	[sflag:s18] =	ssyncadd.s32 $0xFFFFC000  }
0x73: {  	[spmem:s3] =	stream.indirect.scatter.add.f32 [tilespmem:s16], [sflag:$0x5], $0x80, s25, s14, $0xb8;
	[tilespmem:$0x1D000] =	vst v63  }
0x74: {  	_ =	swait.ge [sflag:s11], $0x4000  }
0x75: {  	s22 =	smin.u32 s2, $0x11;
	s26 =	rddreg [dreg:$0x4]  }
0x76: {  	[sflag:s11] =	ssyncset.done $0x0;
	s20 =	sadd.s32 s22, s26  }
0x77: {  	s21 =	rddreg [dreg:$0x13];
	[sflag:s11] =	ssyncadd.s32 $0xFFFFC000;
	s20 =	sshll.u32 s20, $0x7  }
0x78: {  	[tilespmem:s16], [sflag:$0x2] =	stream.indirect.gather [hbm4b:s13+s14], $0x80, s21, s14, $0xb8;
	[tilespmem:$0x1D000] =	vst v63  }
0x79: {  	s30 =	sadd.s32 s4, s20  }
0x7a: {  	[tilespmem:s2], [sflag:$0x3] =	stream.linear.gather [hbm4b:s30+s2], $0x400, $0x38;
	[tilespmem:$0x1D000] =	vst v63  }
0x7b: {  	s20 =	sadd.s32 s6, s20  }
0x7c: {  	[tilespmem:s8], [sflag:$0x3] =	stream.linear.gather [hbm4b:s20+s2], $0x400, $0x38;
	[tilespmem:$0x1D000] =	vst v63  }
0x7d: {  	_ =	swait.ge [sflag:s17], $0x4000  }
0x7e: {  	[sflag:s17] =	ssyncset.done $0x0  }
0x7f: {  	[sflag:s17] =	ssyncadd.s32 $0xFFFFC000  }
0x80: {  	[spmem:s3] =	stream.indirect.scatter.add.f32 [tilespmem:s15], [sflag:$0x5], $0x80, s10, s14, $0xb8;
	[tilespmem:$0x1D000] =	vst v63  }
0x81: {  	_ =	swait.ge [sflag:s11], $0x4000  }
0x82: {  	[sflag:s11] =	ssyncset.done $0x0  }
0x83: {  	s31 =	rddreg [dreg:$0x14];
	[sflag:s11] =	ssyncadd.s32 $0xFFFFC000  }
0x84: {  	[tilespmem:s15], [sflag:$0x1] =	stream.indirect.gather [hbm4b:s13+s14], $0x80, s31, s14, $0xb8;
	[tilespmem:$0x1D000] =	vst v63  }
0x85: {  	_ =	swait.ge [sflag:s18], $0x4000  }
0x86: {  	[sflag:s18] =	ssyncset.done $0x0  }
0x87: {  	s21 =	rddreg [dreg:$0x15];
	[sflag:s18] =	ssyncadd.s32 $0xFFFFC000  }
0x88: {  	[spmem:s3] =	stream.indirect.scatter.add.f32 [tilespmem:s16], [sflag:$0x5], $0x80, s21, s14, $0xb8;
	[tilespmem:$0x1D000] =	vst v63  }
0x89: {  	_ =	swait.ge [sflag:s11], $0x4000  }
0x8a: {  	[sflag:s11] =	ssyncset.done $0x0  }
0x8b: {  	s22 =	rddreg [dreg:$0x16];
	[sflag:s11] =	ssyncadd.s32 $0xFFFFC000  }
0x8c: {  	[tilespmem:s16], [sflag:$0x2] =	stream.indirect.gather [hbm4b:s13+s14], $0x80, s22, s14, $0xb8;
	[tilespmem:$0x1D000] =	vst v63  }
0x8d: {  	_ =	swait.ge [sflag:s17], $0x4000  }
0x8e: {  	[sflag:s17] =	ssyncset.done $0x0  }
0x8f: {  	s24 =	rddreg [dreg:$0x17];
	[sflag:s17] =	ssyncadd.s32 $0xFFFFC000  }
0x90: {  	[spmem:s3] =	stream.indirect.scatter.add.f32 [tilespmem:s15], [sflag:$0x5], $0x80, s24, s14, $0xb8;
	[tilespmem:$0x1D000] =	vst v63  }
0x91: {  	_ =	swait.ge [sflag:s11], $0x4000  }
0x92: {  	[sflag:s11] =	ssyncset.done $0x0  }
0x93: {  	s25 =	rddreg [dreg:$0x18];
	[sflag:s11] =	ssyncadd.s32 $0xFFFFC000  }
0x94: {  	[tilespmem:s15], [sflag:$0x1] =	stream.indirect.gather [hbm4b:s13+s14], $0x80, s25, s14, $0xb8;
	[tilespmem:$0x1D000] =	vst v63  }
0x95: {  	_ =	swait.ge [sflag:s18], $0x4000  }
0x96: {  	[sflag:s18] =	ssyncset.done $0x0  }
0x97: {  	s26 =	rddreg [dreg:$0x19];
	[sflag:s18] =	ssyncadd.s32 $0xFFFFC000  }
0x98: {  	[spmem:s3] =	stream.indirect.scatter.add.f32 [tilespmem:s16], [sflag:$0x5], $0x80, s26, s14, $0xb8;
	[tilespmem:$0x1D000] =	vst v63  }
0x99: {  	_ =	swait.ge [sflag:s11], $0x4000  }
0x9a: {  	[sflag:s11] =	ssyncset.done $0x0  }
0x9b: {  	s30 =	rddreg [dreg:$0x1a];
	[sflag:s11] =	ssyncadd.s32 $0xFFFFC000  }
0x9c: {  	[tilespmem:s16], [sflag:$0x2] =	stream.indirect.gather [hbm4b:s13+s14], $0x80, s30, s14, $0xb8;
	[tilespmem:$0x1D000] =	vst v63  }
0x9d: {  	_ =	swait.ge [sflag:s17], $0x4000  }
0x9e: {  	[sflag:s17] =	ssyncset.done $0x0  }
0x9f: {  	s31 =	rddreg [dreg:$0x1b];
	[sflag:s17] =	ssyncadd.s32 $0xFFFFC000  }
0xa0: {  	[spmem:s3] =	stream.indirect.scatter.add.f32 [tilespmem:s15], [sflag:$0x5], $0x80, s31, s14, $0xb8;
	[tilespmem:$0x1D000] =	vst v63  }
0xa1: {  	_ =	swait.ge [sflag:s11], $0x4000  }
0xa2: {  	[sflag:s11] =	ssyncset.done $0x0  }
0xa3: {  	s20 =	simm.s32 $0x700;
	[sflag:s11] =	ssyncadd.s32 $0xFFFFC000  }
0xa4: {  	[tilespmem:s15], [sflag:$0x1] =	stream.indirect.gather [hbm4b:s13+s14], $0x80, s20, s14, $0xb8;
	[tilespmem:$0x1D000] =	vst v63  }
0xa5: {  	_ =	swait.ge [sflag:s18], $0x4000  }
0xa6: {  	[sflag:s18] =	ssyncset.done $0x0  }
0xa7: {  	s21 =	simm.s32 $0xE80;
	[sflag:s18] =	ssyncadd.s32 $0xFFFFC000  }
0xa8: {  	[spmem:s3] =	stream.indirect.scatter.add.f32 [tilespmem:s16], [sflag:$0x5], $0x80, s21, s14, $0xb8;
	[tilespmem:$0x1D000] =	vst v63  }
0xa9: {  	_ =	swait.ge [sflag:s11], $0x4000  }
0xaa: {  	[sflag:s11] =	ssyncset.done $0x0  }
0xab: {  	[sflag:s11] =	ssyncadd.s32 $0xFFFFC000  }
0xac: {  	_ =	swait.ge [sflag:s12], $0x400  }
0xad: {  	[sflag:s12] =	ssyncset.done $0x0  }
0xae: {  	[sflag:s12] =	ssyncadd.s32 $0xFFFFFC00  }
0xaf: {  	_ =	swait.ge [sflag:s12], $0x400  }
0xb0: {  	[sflag:s12] =	ssyncset.done $0x0  }
0xb1: {  	s22 =	simm.s32 $0x780;
	[sflag:s12] =	ssyncadd.s32 $0xFFFFFC00  }
0xb2: {  	[tilespmem:s16], [sflag:$0x2] =	stream.indirect.gather [hbm4b:s13+s14], $0x80, s22, s14, $0xb8;
	[tilespmem:$0x1D000] =	vst v63  }
0xb3: {  	_ =	swait.ge [sflag:s17], $0x4000  }
0xb4: {  	[sflag:s17] =	ssyncset.done $0x0  }
0xb5: {  	s24 =	simm.s32 $0xF00;
	[sflag:s17] =	ssyncadd.s32 $0xFFFFC000  }
0xb6: {  	[spmem:s3] =	stream.indirect.scatter.add.f32 [tilespmem:s15], [sflag:$0x5], $0x80, s24, s14, $0xb8;
	[tilespmem:$0x1D000] =	vst v63  }
0xb7: {  	_ =	swait.ge [sflag:s11], $0x4000  }
0xb8: {  	[sflag:s11] =	ssyncset.done $0x0  }
0xb9: {  	[sflag:s11] =	ssyncadd.s32 $0xFFFFC000  }
0xba: {  	[tilespmem:s15], [sflag:$0x1] =	stream.indirect.gather [hbm4b:s13+s14], $0x80, s2, s14, $0xb8;
	[tilespmem:$0x1D000] =	vst v63  }
0xbb: {  	_ =	swait.ge [sflag:s18], $0x4000  }
0xbc: {  	[sflag:s18] =	ssyncset.done $0x0  }
0xbd: {  	s25 =	simm.s32 $0xF80;
	[sflag:s18] =	ssyncadd.s32 $0xFFFFC000  }
0xbe: {  	[spmem:s3] =	stream.indirect.scatter.add.f32 [tilespmem:s16], [sflag:$0x5], $0x80, s25, s14, $0xb8;
	[tilespmem:$0x1D000] =	vst v63  }
0xbf: {  	_ =	swait.ge [sflag:s11], $0x4000  }
0xc0: {  	s28 =	smin.u32 s2, $0x10;
	s26 =	rddreg [dreg:$0x5];
	[sflag:s11] =	ssyncset.done $0x0  }
0xc1: {  	s26 =	sadd.s32 s28, s26;
	[sflag:s11] =	ssyncadd.s32 $0xFFFFC000  }
0xc2: {  	[tilespmem:s16], [sflag:$0x2] =	stream.indirect.gather [hbm4b:s13+s14], $0x80, s14, s14, $0xb8;
	[tilespmem:$0x1D000] =	vst v63  }
0xc3: {  	s23 =	sadd.s32 $0x3FA00, s23;
	s26 =	sshll.u32 s26, $0x7  }
0xc4: {  	s28 =	sadd.s32 s4, s26;
	s29 =	sadd.s32 s6, s26;
	s26 =	simm.s32 $0x2  }
.LBB2_1:
0xc5: {  	[tilespmem:s9], [sflag:$0x4] =	stream.linear.gather [hbm4b:s28+s2], $0x400, $0x38;
	[tilespmem:$0x1D000] =	vst v63  }
0xc6: {  	_ = 	snop  }
0xc7: {  	[tilespmem:s10], [sflag:$0x4] =	stream.linear.gather [hbm4b:s29+s2], $0x400, $0x38;
	[tilespmem:$0x1D000] =	vst v63  }
0xc8: {  	_ =	swait.ge [sflag:s17], $0x4000  }
0xc9: {  	[sflag:s17] =	ssyncset.done $0x0  }
0xca: {  	[sflag:s17] =	ssyncadd.s32 $0xFFFFC000  }
0xcb: {  	[spmem:s3] =	stream.indirect.scatter.add.f32 [tilespmem:s15], [sflag:$0x5], $0x80, s8, s14, $0xb8;
	[tilespmem:$0x1D000] =	vst v63  }
0xcc: {  	_ =	swait.ge [sflag:s11], $0x4000  }
0xcd: {  	[sflag:s11] =	ssyncset.done $0x0  }
0xce: {  	s29 =	rddreg [dreg:$0x6];
	[sflag:s11] =	ssyncadd.s32 $0xFFFFC000  }
0xcf: {  	[tilespmem:s15], [sflag:$0x1] =	stream.indirect.gather [hbm4b:s13+s14], $0x80, s29, s14, $0xb8;
	[tilespmem:$0x1D000] =	vst v63  }
0xd0: {  	_ =	swait.ge [sflag:s18], $0x4000  }
0xd1: {  	[sflag:s18] =	ssyncset.done $0x0  }
0xd2: {  	s29 =	rddreg [dreg:$0x7];
	[sflag:s18] =	ssyncadd.s32 $0xFFFFC000  }
0xd3: {  	[spmem:s3] =	stream.indirect.scatter.add.f32 [tilespmem:s16], [sflag:$0x5], $0x80, s29, s14, $0xb8;
	[tilespmem:$0x1D000] =	vst v63  }
0xd4: {  	_ =	swait.ge [sflag:s11], $0x4000  }
0xd5: {  	[sflag:s11] =	ssyncset.done $0x0  }
0xd6: {  	s29 =	rddreg [dreg:$0x8];
	[sflag:s11] =	ssyncadd.s32 $0xFFFFC000  }
0xd7: {  	[tilespmem:s16], [sflag:$0x2] =	stream.indirect.gather [hbm4b:s13+s14], $0x80, s29, s14, $0xb8;
	[tilespmem:$0x1D000] =	vst v63  }
0xd8: {  	_ =	swait.ge [sflag:s17], $0x4000  }
0xd9: {  	[sflag:s17] =	ssyncset.done $0x0  }
0xda: {  	s29 =	rddreg [dreg:$0x9];
	[sflag:s17] =	ssyncadd.s32 $0xFFFFC000  }
0xdb: {  	[spmem:s3] =	stream.indirect.scatter.add.f32 [tilespmem:s15], [sflag:$0x5], $0x80, s29, s14, $0xb8;
	[tilespmem:$0x1D000] =	vst v63  }
0xdc: {  	_ =	swait.ge [sflag:s11], $0x4000  }
0xdd: {  	[sflag:s11] =	ssyncset.done $0x0  }
0xde: {  	s29 =	rddreg [dreg:$0xa];
	[sflag:s11] =	ssyncadd.s32 $0xFFFFC000  }
0xdf: {  	[tilespmem:s15], [sflag:$0x1] =	stream.indirect.gather [hbm4b:s13+s14], $0x80, s29, s14, $0xb8;
	[tilespmem:$0x1D000] =	vst v63  }
0xe0: {  	_ =	swait.ge [sflag:s18], $0x4000  }
0xe1: {  	[sflag:s18] =	ssyncset.done $0x0  }
0xe2: {  	s29 =	rddreg [dreg:$0xb];
	[sflag:s18] =	ssyncadd.s32 $0xFFFFC000  }
0xe3: {  	[spmem:s3] =	stream.indirect.scatter.add.f32 [tilespmem:s16], [sflag:$0x5], $0x80, s29, s14, $0xb8;
	[tilespmem:$0x1D000] =	vst v63  }
0xe4: {  	_ =	swait.ge [sflag:s11], $0x4000  }
0xe5: {  	[sflag:s11] =	ssyncset.done $0x0  }
0xe6: {  	s29 =	rddreg [dreg:$0xc];
	[sflag:s11] =	ssyncadd.s32 $0xFFFFC000  }
0xe7: {  	[tilespmem:s16], [sflag:$0x2] =	stream.indirect.gather [hbm4b:s13+s14], $0x80, s29, s14, $0xb8;
	[tilespmem:$0x1D000] =	vst v63  }
0xe8: {  	_ =	swait.ge [sflag:s17], $0x4000  }
0xe9: {  	[sflag:s17] =	ssyncset.done $0x0  }
0xea: {  	s29 =	rddreg [dreg:$0xd];
	[sflag:s17] =	ssyncadd.s32 $0xFFFFC000  }
0xeb: {  	[spmem:s3] =	stream.indirect.scatter.add.f32 [tilespmem:s15], [sflag:$0x5], $0x80, s29, s14, $0xb8;
	[tilespmem:$0x1D000] =	vst v63  }
0xec: {  	_ =	swait.ge [sflag:s11], $0x4000  }
0xed: {  	[sflag:s11] =	ssyncset.done $0x0  }
0xee: {  	s29 =	rddreg [dreg:$0xe];
	[sflag:s11] =	ssyncadd.s32 $0xFFFFC000  }
0xef: {  	[tilespmem:s15], [sflag:$0x1] =	stream.indirect.gather [hbm4b:s13+s14], $0x80, s29, s14, $0xb8;
	[tilespmem:$0x1D000] =	vst v63  }
0xf0: {  	_ =	swait.ge [sflag:s18], $0x4000  }
0xf1: {  	[sflag:s18] =	ssyncset.done $0x0  }
0xf2: {  	s29 =	rddreg [dreg:$0xf];
	[sflag:s18] =	ssyncadd.s32 $0xFFFFC000  }
0xf3: {  	[spmem:s3] =	stream.indirect.scatter.add.f32 [tilespmem:s16], [sflag:$0x5], $0x80, s29, s14, $0xb8;
	[tilespmem:$0x1D000] =	vst v63  }
0xf4: {  	_ =	swait.ge [sflag:s11], $0x4000  }
0xf5: {  	[sflag:s11] =	ssyncset.done $0x0  }
0xf6: {  	[sflag:s11] =	ssyncadd.s32 $0xFFFFC000  }
0xf7: {  	_ =	swait.ge [sflag:s19], $0x400  }
0xf8: {  	[sflag:s19] =	ssyncset.done $0x0  }
0xf9: {  	[sflag:s19] =	ssyncadd.s32 $0xFFFFFC00  }
0xfa: {  	_ =	swait.ge [sflag:s19], $0x400  }
0xfb: {  	[sflag:s19] =	ssyncset.done $0x0  }
0xfc: {  	s29 =	rddreg [dreg:$0x10];
	[sflag:s19] =	ssyncadd.s32 $0xFFFFFC00  }
0xfd: {  	[tilespmem:s16], [sflag:$0x2] =	stream.indirect.gather [hbm4b:s13+s14], $0x80, s29, s14, $0xb8;
	[tilespmem:$0x1D000] =	vst v63  }
0xfe: {  	_ =	swait.ge [sflag:s17], $0x4000  }
0xff: {  	[sflag:s17] =	ssyncset.done $0x0  }
0x100: {  	s29 =	rddreg [dreg:$0x11];
	[sflag:s17] =	ssyncadd.s32 $0xFFFFC000  }
0x101: {  	[spmem:s3] =	stream.indirect.scatter.add.f32 [tilespmem:s15], [sflag:$0x5], $0x80, s29, s14, $0xb8;
	[tilespmem:$0x1D000] =	vst v63  }
0x102: {  	_ =	swait.ge [sflag:s11], $0x4000  }
0x103: {  	[sflag:s11] =	ssyncset.done $0x0  }
0x104: {  	[sflag:s11] =	ssyncadd.s32 $0xFFFFC000  }
0x105: {  	[tilespmem:s15], [sflag:$0x1] =	stream.indirect.gather [hbm4b:s13+s14], $0x80, s9, s14, $0xb8;
	[tilespmem:$0x1D000] =	vst v63  }
0x106: {  	_ =	swait.ge [sflag:s18], $0x4000  }
0x107: {  	[sflag:s18] =	ssyncset.done $0x0  }
0x108: {  	s29 =	rddreg [dreg:$0x12];
	[sflag:s18] =	ssyncadd.s32 $0xFFFFC000  }
0x109: {  	[spmem:s3] =	stream.indirect.scatter.add.f32 [tilespmem:s16], [sflag:$0x5], $0x80, s29, s14, $0xb8;
	[tilespmem:$0x1D000] =	vst v63  }
0x10a: {  	s28 =	smov.u32 s26;
	_ =	swait.ge [sflag:s11], $0x4000  }
0x10b: {  	s31 =	smin.u32 s28, $0x11;
	s29 =	rddreg [dreg:$0x4]  }
0x10c: {  	[sflag:s11] =	ssyncset.done $0x0;
	s29 =	sadd.s32 s31, s29  }
0x10d: {  	s30 =	rddreg [dreg:$0x13];
	[sflag:s11] =	ssyncadd.s32 $0xFFFFC000;
	s29 =	sshll.u32 s29, $0x7  }
0x10e: {  	[tilespmem:s16], [sflag:$0x2] =	stream.indirect.gather [hbm4b:s13+s14], $0x80, s30, s14, $0xb8;
	[tilespmem:$0x1D000] =	vst v63  }
0x10f: {  	s31 =	sadd.s32 s4, s29  }
0x110: {  	[tilespmem:s2], [sflag:$0x3] =	stream.linear.gather [hbm4b:s31+s2], $0x400, $0x38;
	[tilespmem:$0x1D000] =	vst v63  }
0x111: {  	s29 =	sadd.s32 s6, s29  }
0x112: {  	[tilespmem:s8], [sflag:$0x3] =	stream.linear.gather [hbm4b:s29+s2], $0x400, $0x38;
	[tilespmem:$0x1D000] =	vst v63  }
0x113: {  	_ =	swait.ge [sflag:s17], $0x4000  }
0x114: {  	[sflag:s17] =	ssyncset.done $0x0  }
0x115: {  	[sflag:s17] =	ssyncadd.s32 $0xFFFFC000  }
0x116: {  	[spmem:s3] =	stream.indirect.scatter.add.f32 [tilespmem:s15], [sflag:$0x5], $0x80, s10, s14, $0xb8;
	[tilespmem:$0x1D000] =	vst v63  }
0x117: {  	_ =	swait.ge [sflag:s11], $0x4000  }
0x118: {  	[sflag:s11] =	ssyncset.done $0x0  }
0x119: {  	s29 =	rddreg [dreg:$0x14];
	[sflag:s11] =	ssyncadd.s32 $0xFFFFC000  }
0x11a: {  	[tilespmem:s15], [sflag:$0x1] =	stream.indirect.gather [hbm4b:s13+s14], $0x80, s29, s14, $0xb8;
	[tilespmem:$0x1D000] =	vst v63  }
0x11b: {  	_ =	swait.ge [sflag:s18], $0x4000  }
0x11c: {  	[sflag:s18] =	ssyncset.done $0x0  }
0x11d: {  	s29 =	rddreg [dreg:$0x15];
	[sflag:s18] =	ssyncadd.s32 $0xFFFFC000  }
0x11e: {  	[spmem:s3] =	stream.indirect.scatter.add.f32 [tilespmem:s16], [sflag:$0x5], $0x80, s29, s14, $0xb8;
	[tilespmem:$0x1D000] =	vst v63  }
0x11f: {  	_ =	swait.ge [sflag:s11], $0x4000  }
0x120: {  	[sflag:s11] =	ssyncset.done $0x0  }
0x121: {  	s29 =	rddreg [dreg:$0x16];
	[sflag:s11] =	ssyncadd.s32 $0xFFFFC000  }
0x122: {  	[tilespmem:s16], [sflag:$0x2] =	stream.indirect.gather [hbm4b:s13+s14], $0x80, s29, s14, $0xb8;
	[tilespmem:$0x1D000] =	vst v63  }
0x123: {  	_ =	swait.ge [sflag:s17], $0x4000  }
0x124: {  	[sflag:s17] =	ssyncset.done $0x0  }
0x125: {  	s29 =	rddreg [dreg:$0x17];
	[sflag:s17] =	ssyncadd.s32 $0xFFFFC000  }
0x126: {  	[spmem:s3] =	stream.indirect.scatter.add.f32 [tilespmem:s15], [sflag:$0x5], $0x80, s29, s14, $0xb8;
	[tilespmem:$0x1D000] =	vst v63  }
0x127: {  	_ =	swait.ge [sflag:s11], $0x4000  }
0x128: {  	[sflag:s11] =	ssyncset.done $0x0  }
0x129: {  	s29 =	rddreg [dreg:$0x18];
	[sflag:s11] =	ssyncadd.s32 $0xFFFFC000  }
0x12a: {  	[tilespmem:s15], [sflag:$0x1] =	stream.indirect.gather [hbm4b:s13+s14], $0x80, s29, s14, $0xb8;
	[tilespmem:$0x1D000] =	vst v63  }
0x12b: {  	_ =	swait.ge [sflag:s18], $0x4000  }
0x12c: {  	[sflag:s18] =	ssyncset.done $0x0  }
0x12d: {  	s29 =	rddreg [dreg:$0x19];
	[sflag:s18] =	ssyncadd.s32 $0xFFFFC000  }
0x12e: {  	[spmem:s3] =	stream.indirect.scatter.add.f32 [tilespmem:s16], [sflag:$0x5], $0x80, s29, s14, $0xb8;
	[tilespmem:$0x1D000] =	vst v63  }
0x12f: {  	_ =	swait.ge [sflag:s11], $0x4000  }
0x130: {  	[sflag:s11] =	ssyncset.done $0x0  }
0x131: {  	s29 =	rddreg [dreg:$0x1a];
	[sflag:s11] =	ssyncadd.s32 $0xFFFFC000  }
0x132: {  	[tilespmem:s16], [sflag:$0x2] =	stream.indirect.gather [hbm4b:s13+s14], $0x80, s29, s14, $0xb8;
	[tilespmem:$0x1D000] =	vst v63  }
0x133: {  	_ =	swait.ge [sflag:s17], $0x4000  }
0x134: {  	[sflag:s17] =	ssyncset.done $0x0  }
0x135: {  	s29 =	rddreg [dreg:$0x1b];
	[sflag:s17] =	ssyncadd.s32 $0xFFFFC000  }
0x136: {  	[spmem:s3] =	stream.indirect.scatter.add.f32 [tilespmem:s15], [sflag:$0x5], $0x80, s29, s14, $0xb8;
	[tilespmem:$0x1D000] =	vst v63  }
0x137: {  	_ =	swait.ge [sflag:s11], $0x4000  }
0x138: {  	[sflag:s11] =	ssyncset.done $0x0  }
0x139: {  	[sflag:s11] =	ssyncadd.s32 $0xFFFFC000  }
0x13a: {  	[tilespmem:s15], [sflag:$0x1] =	stream.indirect.gather [hbm4b:s13+s14], $0x80, s20, s14, $0xb8;
	[tilespmem:$0x1D000] =	vst v63  }
0x13b: {  	_ =	swait.ge [sflag:s18], $0x4000  }
0x13c: {  	[sflag:s18] =	ssyncset.done $0x0  }
0x13d: {  	[sflag:s18] =	ssyncadd.s32 $0xFFFFC000  }
0x13e: {  	[spmem:s3] =	stream.indirect.scatter.add.f32 [tilespmem:s16], [sflag:$0x5], $0x80, s21, s14, $0xb8;
	[tilespmem:$0x1D000] =	vst v63  }
0x13f: {  	_ =	swait.ge [sflag:s11], $0x4000  }
0x140: {  	[sflag:s11] =	ssyncset.done $0x0  }
0x141: {  	[sflag:s11] =	ssyncadd.s32 $0xFFFFC000  }
0x142: {  	_ =	swait.ge [sflag:s12], $0x400  }
0x143: {  	[sflag:s12] =	ssyncset.done $0x0  }
0x144: {  	[sflag:s12] =	ssyncadd.s32 $0xFFFFFC00  }
0x145: {  	_ =	swait.ge [sflag:s12], $0x400  }
0x146: {  	[sflag:s12] =	ssyncset.done $0x0  }
0x147: {  	[sflag:s12] =	ssyncadd.s32 $0xFFFFFC00  }
0x148: {  	[tilespmem:s16], [sflag:$0x2] =	stream.indirect.gather [hbm4b:s13+s14], $0x80, s22, s14, $0xb8;
	[tilespmem:$0x1D000] =	vst v63  }
0x149: {  	_ =	swait.ge [sflag:s17], $0x4000  }
0x14a: {  	[sflag:s17] =	ssyncset.done $0x0  }
0x14b: {  	[sflag:s17] =	ssyncadd.s32 $0xFFFFC000  }
0x14c: {  	[spmem:s3] =	stream.indirect.scatter.add.f32 [tilespmem:s15], [sflag:$0x5], $0x80, s24, s14, $0xb8;
	[tilespmem:$0x1D000] =	vst v63  }
0x14d: {  	_ =	swait.ge [sflag:s11], $0x4000  }
0x14e: {  	[sflag:s11] =	ssyncset.done $0x0  }
0x14f: {  	[sflag:s11] =	ssyncadd.s32 $0xFFFFC000  }
0x150: {  	[tilespmem:s15], [sflag:$0x1] =	stream.indirect.gather [hbm4b:s13+s14], $0x80, s2, s14, $0xb8;
	[tilespmem:$0x1D000] =	vst v63  }
0x151: {  	_ =	swait.ge [sflag:s18], $0x4000  }
0x152: {  	[sflag:s18] =	ssyncset.done $0x0  }
0x153: {  	[sflag:s18] =	ssyncadd.s32 $0xFFFFC000  }
0x154: {  	[spmem:s3] =	stream.indirect.scatter.add.f32 [tilespmem:s16], [sflag:$0x5], $0x80, s25, s14, $0xb8;
	[tilespmem:$0x1D000] =	vst v63  }
0x155: {  	p0 =	sne.s32 s26, $0x12;
	s28 =	smin.u32 s28, $0x10;
	_ =	swait.ge [sflag:s11], $0x4000  }
.Ltmp0:
0x156: {  	[sflag:s11] =	ssyncset.done $0x0;
	s29 =	rddreg [dreg:$0x5];
	(pc) =	sbr.rel @p0 .LBB2_1-.Ltmp0, $4  }
0x157: {  	[sflag:s11] =	ssyncadd.s32 $0xFFFFC000;
	s28 =	sadd.s32 s28, s29  }
0x158: {  	[tilespmem:s16], [sflag:$0x2] =	stream.indirect.gather [hbm4b:s13+s14], $0x80, s14, s14, $0xb8;
	[tilespmem:$0x1D000] =	vst v63  }
0x159: {  	s29 =	sshll.u32 s28, $0x7  }
0x15a: {  	s26 =	sadd.s32 $0x2, s26;
	s28 =	sadd.s32 s4, s29;
	s29 =	sadd.s32 s6, s29  }
0x15b: {  	[tilespmem:s9], [sflag:$0x4] =	stream.linear.gather [hbm4b:s28+s2], $0x400, $0x38;
	[tilespmem:$0x1D000] =	vst v63  }
0x15c: {  	s26 =	simm.s32 $0x1  }
0x15d: {  	[tilespmem:s10], [sflag:$0x4] =	stream.linear.gather [hbm4b:s29+s2], $0x400, $0x38;
	[tilespmem:$0x1D000] =	vst v63  }
0x15e: {  	_ =	swait.ge [sflag:s26], $0x4000  }
0x15f: {  	[sflag:s26] =	ssyncset.done $0x0  }
0x160: {  	s28 =	simm.s32 $0x2;
	[sflag:s26] =	ssyncadd.s32 $0xFFFFC000  }
0x161: {  	_ =	swait.ge [sflag:s28], $0x4000  }
0x162: {  	[sflag:s28] =	ssyncset.done $0x0  }
0x163: {  	s29 =	simm.s32 $0x4;
	[sflag:s28] =	ssyncadd.s32 $0xFFFFC000  }
0x164: {  	_ =	swait.ge [sflag:s29], $0x400  }
0x165: {  	[sflag:s29] =	ssyncset.done $0x0  }
0x166: {  	[sflag:s29] =	ssyncadd.s32 $0xFFFFFC00  }
0x167: {  	_ =	swait.ge [sflag:s29], $0x400  }
0x168: {  	s3 =	smul.u32 $0x2800, s1;
	[sflag:s29] =	ssyncset.done $0x0  }
0x169: {  	[sflag:s29] =	ssyncadd.s32 $0xFFFFFC00  }
0x16a: {  	s31 =	simm.s32 $0x5;
	s30 =	sadd.s32 s23, s3;
	[bflag:$0x0] =	sbarrier.arrive $0xFFFF  }
0x16b: {  	[hbm:s30], [sflag:s5] =	dma.local [spmem:s7], $0x2800  }
0x16c: {  	_ =	swait.ge [sflag:s31], $0x2800  }
0x16d: {  	[sflag:s31] =	ssyncset.done $0x0  }
0x16e: {  	[sflag:s31] =	ssyncadd.s32 $0xFFFFD800  }
0x16f: {  	_ =	sfence.sel $0x180000  }
0x170: {  	[bflag:$0x0] =	sbarrier.arrive $0xFFFF  }
0x171: {  	p0 =	sne.s32 s1, $0x0;
	_ =	strace $0x9000004A  }
0x172: {  	s0 =	sadd.s32 @!p0 $0x100000, s0;
	[bflag:$0x2] =	sbarrier.arrive $0xFFFF  }
0x173: {  	[sflag:s0] =	ssyncadd.tile.s32 @!p0 $0x1;
	_ =	shalt  }
.Lfunc_end2:
_tile_overlayer_lowered:
.L_overlay_start_2:
0x174: {  	(tag) =	ssettag $0x2  }
0x175: {  	s0 =	rddreg [dreg:$0x0];
	s2 =	stileid.u32  }
0x176: {  	s1 =	rddreg [dreg:$0x1];
	p0 =	sne.s32 s2, $0x0  }
0x177: {  	s3 =	rddreg [dreg:$0x2];
	[bflag:$0x3] =	sbarrier.arrive $0xFFFF;
	s2 =	simm.s32 @!p0 $0x1C05  }
0x178: {  	[timem:s3], [sflag:s2] =	dma.local @!p0 [hbm:s0], s1  }
0x179: {  	s0 =	simm.s32 @!p0 $0x5  }
0x17a: {  	_ =	swait.ge @!p0 [sflag:s0], s1  }
0x17b: {  	s1 =	ssub.s32 @!p0 $0x0, s1;
	[sflag:s0] =	ssyncset.done @!p0 $0x0  }
0x17c: {  	[sflag:s0] =	ssyncadd.s32 @!p0 s1  }
0x17d: {  	[bflag:$0x3] =	sbarrier.arrive $0xFFFF  }
0x17e: {  	_ =	shalt  }

</sc_bundles>
